<compile_context>
chip_gen: v7x
topology: tpu7x:2x2x1
jax: 0.10.2.dev20260603
libtpu: 0.0.44.dev20260713+nightly
codegen_flags: <defaults>
</compile_context>

<pallas_src>
import functools

import jax
import jax.numpy as jnp
from jax import lax
from jax.experimental import pallas as pl
from jax.experimental.pallas import tpu as pltpu
from jax.experimental.pallas import tpu_sc as plsc

N_EXPERTS = 8
D_MODEL = 1024
N_TOKENS = 4096

BLK = 256
NBLK = N_TOKENS // BLK + 8
NPAD = NBLK * BLK

NW = 32
TPW = N_TOKENS // NW
SCH = 64
NSC = TPW // SCH

_mesh = plsc.VectorSubcoreMesh(core_axis_name="core", subcore_axis_name="subcore")


@functools.partial(
    pl.kernel,
    out_type=jax.ShapeDtypeStruct((NPAD, D_MODEL), jnp.float32),
    mesh=_mesh,
    scratch_types=[
        pltpu.VMEM((NSC, SCH), jnp.int32),
        pltpu.VMEM((SCH, D_MODEL), jnp.float32),
    ],
)
def _sc_scatter(x_hbm, idx_hbm, o_hbm, idx_v, rows_v):
    wid = lax.axis_index("subcore") * 2 + lax.axis_index("core")
    base = wid * TPW
    for c in range(NSC):
        pltpu.sync_copy(idx_hbm.at[pl.ds(base + c * SCH, SCH)], idx_v.at[c])
        pltpu.sync_copy(x_hbm.at[pl.ds(base + c * SCH, SCH)], rows_v)
        pltpu.sync_copy(rows_v, o_hbm.at[idx_v.at[c]])


@functools.partial(
    pl.kernel,
    out_type=jax.ShapeDtypeStruct((N_TOKENS, D_MODEL), jnp.float32),
    mesh=_mesh,
    scratch_types=[
        pltpu.VMEM((NSC, SCH), jnp.int32),
        pltpu.VMEM((SCH, D_MODEL), jnp.float32),
    ],
)
def _sc_gather(src_hbm, idx_hbm, o_hbm, idx_v, rows_v):
    wid = lax.axis_index("subcore") * 2 + lax.axis_index("core")
    base = wid * TPW
    for c in range(NSC):
        pltpu.sync_copy(idx_hbm.at[pl.ds(base + c * SCH, SCH)], idx_v.at[c])
        pltpu.sync_copy(src_hbm.at[idx_v.at[c]], rows_v)
        pltpu.sync_copy(rows_v, o_hbm.at[pl.ds(base + c * SCH, SCH)])


def _tc_expert_matmul(x_pad, W, b, expert_of_block, nblk_total):

    def mm_kernel(e_ref, v_ref, x_ref, w_ref, b_ref, o_ref):
        @pl.when(pl.program_id(0) < v_ref[0])
        def _():
            e = e_ref[pl.program_id(0)]
            o_ref[...] = (jnp.dot(x_ref[...].astype(jnp.bfloat16), w_ref[e],
                                  preferred_element_type=jnp.float32)
                          + b_ref[e])

    grid_spec = pltpu.PrefetchScalarGridSpec(
        num_scalar_prefetch=2,
        grid=(NBLK,),
        in_specs=[
            pl.BlockSpec((BLK, D_MODEL),
                         lambda i, e, v: (jnp.minimum(i, v[0] - 1), 0)),
            pl.BlockSpec((N_EXPERTS, D_MODEL, D_MODEL), lambda i, e, v: (0, 0, 0)),
            pl.BlockSpec((N_EXPERTS, 1, D_MODEL), lambda i, e, v: (0, 0, 0)),
        ],
        out_specs=pl.BlockSpec((BLK, D_MODEL),
                               lambda i, e, v: (jnp.minimum(i, v[0] - 1), 0)),
    )
    return pl.pallas_call(
        mm_kernel,
        grid_spec=grid_spec,
        out_shape=jax.ShapeDtypeStruct((NPAD, D_MODEL), jnp.float32),
    )(expert_of_block, nblk_total, x_pad, W, b.reshape(N_EXPERTS, 1, D_MODEL))


def kernel(x, groups, W, b):
    g = groups[:, 0].astype(jnp.int32)

    onehot_i = (g[:, None] == jnp.arange(N_EXPERTS, dtype=jnp.int32)[None, :]
                ).astype(jnp.int32)
    cum = jnp.cumsum(onehot_i, axis=0)
    counts = cum[-1]
    nblk = (counts + BLK - 1) // BLK
    cum_nblk = jnp.cumsum(nblk)
    nblk_total = cum_nblk[-1:].astype(jnp.int32)
    pad_start = (cum_nblk - nblk) * BLK
    padpos = jnp.sum(onehot_i * (pad_start[None, :] + cum - 1),
                     axis=1).astype(jnp.int32)
    expert_of_block = jnp.minimum(
        jnp.sum((jnp.arange(NBLK, dtype=jnp.int32)[:, None]
                 >= cum_nblk[None, :]).astype(jnp.int32), axis=1),
        N_EXPERTS - 1).astype(jnp.int32)

    Wb = W.astype(jnp.bfloat16)
    x_pad = _sc_scatter(x, padpos)
    out_pad = _tc_expert_matmul(x_pad, Wb, b, expert_of_block, nblk_total)
    return _sc_gather(out_pad, padpos)

# --- scband reference (transcript-rebuilt; emitter-appended) ---
"""Pipeline reference for scband-subnet-gate-58634893525694 (READ-ONLY COPY).

The authoritative reference and input builder live on the scoring server;
editing this copy changes nothing except your own understanding.
"""

import jax, jax.numpy as jnp
import numpy as np

N_EXPERTS = 8
D_MODEL = 1024
N_TOKENS = 4096


def setup_inputs(seed: int = 0) -> dict:
    key = jax.random.key(seed)
    k1, k2, k3 = jax.random.split(key, 3)
    x = jax.random.normal(k1, (N_TOKENS, D_MODEL), dtype=jnp.float32)
    groups = jax.random.randint(k2, (N_TOKENS, 2), 0, N_EXPERTS)
    # Per-expert Dense(units=1024) kernels and biases (one subnet per expert).
    W = jax.random.normal(k3, (N_EXPERTS, D_MODEL, D_MODEL), dtype=jnp.float32) * 0.02
    b = jnp.zeros((N_EXPERTS, D_MODEL), dtype=jnp.float32)
    return {"x": x, "groups": groups, "W": W, "b": b}


def reference(x, groups, W, b):
    # SubnetGate.call: idx_group = inputs[-1][:, group_col]; one-hot hard gates.
    idx_group = groups[:, 0]
    gates = jax.nn.one_hot(idx_group, N_EXPERTS, dtype=x.dtype)  # [B, E], on=1.0 off=0.0
    # SparseDispatcher: dispatch tokens to each expert subnet, run subnet,
    # then combine multiplied by gates. With hard one-hot gates this equals
    # gate-weighted sum of each expert's Dense output over all tokens.
    expert_out = jnp.einsum('bd,edf->ebf', x, W) + b[:, None, :]  # [E, B, D]
    # combine(multiply_by_gates=True): scatter-add expert outputs weighted by gate
    out = jnp.einsum('be,ebf->bf', gates, expert_out)  # [B, D]
    return out

if __name__ == "__main__":
    import jax
    _d = setup_inputs()
    print(jax.jit(kernel)(*tuple(_d.values())))

</pallas_src>

<mosaic_0001>
#map = affine_map<(d0, d1) -> (0, 0)>
#map1 = affine_map<(d0, d1) -> (0)>
module attributes {stable_mosaic.version = 14 : i64} {
  func.func @_sc_gather(%arg0: i32, %arg1: i32, %arg2: memref<6144x1024xf32, #tpu.memory_space<hbm>>, %arg3: memref<4096xi32, #tpu.memory_space<hbm>>, %arg4: memref<4096x1024xf32, #tpu.memory_space<hbm>>, %arg5: memref<2x64xi32, #tpu.memory_space<vmem>>, %arg6: memref<64x1024xf32, #tpu.memory_space<vmem>>) attributes {dimension_semantics = [#tpu.dimension_semantics<core_parallel>, #tpu.dimension_semantics<subcore_parallel>], iteration_bounds = array<i64: 2, 16>, scalar_prefetch = 0 : i64, scratch_operands = 2 : i64, tpu.core_type = #tpu.core_type<sc_vector_subcore>, window_params = [{transform_indices = #map}, {transform_indices = #map1}, {transform_indices = #map}]} {
    %mul3A = arith.constant 2 : i32
    %mul3A_0 = arith.muli %arg1, %mul3A : i32
    %add3A = arith.addi %mul3A_0, %arg0 : i32
    %mul3A_1 = arith.constant 128 : i32
    %mul3A_2 = arith.muli %add3A, %mul3A_1 : i32
    %add3A_3 = arith.constant 0 : i32
    %add3A_4 = arith.addi %mul3A_2, %add3A_3 : i32
    %run_scoped3A = arith.constant 0 : i32
    "tpu.region"() ({
      %run_scoped3A_14 = tpu.sem_alloc : memref<!tpu.dma_semaphore, #tpu.memory_space<semaphore_mem>>
      %dma_start3A = arith.constant 0 : i32
      %dma_start3A_15 = tpu.memref_slice %arg5[%run_scoped3A, %dma_start3A] : memref<2x64xi32, #tpu.memory_space<vmem>> -> memref<1x64xi32, #tpu.memory_space<vmem>>
      %dma_start3A_16 = tpu.memref_squeeze %dma_start3A_15 : memref<1x64xi32, #tpu.memory_space<vmem>> -> memref<64xi32, #tpu.memory_space<vmem>>
      %dma_start3A_17 = tpu.memref_slice %arg3[%add3A_4] : memref<4096xi32, #tpu.memory_space<hbm>> -> memref<64xi32, #tpu.memory_space<hbm>>
      %dma_start3A_18 = arith.constant 0 : i32
      %dma_start3A_19 = tpu.memref_slice %arg5[%run_scoped3A, %dma_start3A_18] : memref<2x64xi32, #tpu.memory_space<vmem>> -> memref<1x64xi32, #tpu.memory_space<vmem>>
      %dma_start3A_20 = tpu.memref_squeeze %dma_start3A_19 : memref<1x64xi32, #tpu.memory_space<vmem>> -> memref<64xi32, #tpu.memory_space<vmem>>
      %dma_start3A_21 = tpu.memref_slice %arg3[%add3A_4] : memref<4096xi32, #tpu.memory_space<hbm>> -> memref<64xi32, #tpu.memory_space<hbm>>
      tpu.enqueue_dma source(%dma_start3A_21 : memref<64xi32, #tpu.memory_space<hbm>>) target(%dma_start3A_20 : memref<64xi32, #tpu.memory_space<vmem>>) target_semaphore(%run_scoped3A_14 : memref<!tpu.dma_semaphore, #tpu.memory_space<semaphore_mem>>)
      %dma_wait3A = arith.constant 0 : i32
      %dma_wait3A_22 = tpu.memref_slice %arg5[%run_scoped3A, %dma_wait3A] : memref<2x64xi32, #tpu.memory_space<vmem>> -> memref<1x64xi32, #tpu.memory_space<vmem>>
      %dma_wait3A_23 = tpu.memref_squeeze %dma_wait3A_22 : memref<1x64xi32, #tpu.memory_space<vmem>> -> memref<64xi32, #tpu.memory_space<vmem>>
      %dma_wait3A_24 = tpu.memref_slice %arg3[%add3A_4] : memref<4096xi32, #tpu.memory_space<hbm>> -> memref<64xi32, #tpu.memory_space<hbm>>
      %dma_wait3A_25 = arith.constant 0 : i32
      %dma_wait3A_26 = tpu.memref_slice %arg5[%run_scoped3A, %dma_wait3A_25] : memref<2x64xi32, #tpu.memory_space<vmem>> -> memref<1x64xi32, #tpu.memory_space<vmem>>
      %dma_wait3A_27 = tpu.memref_squeeze %dma_wait3A_26 : memref<1x64xi32, #tpu.memory_space<vmem>> -> memref<64xi32, #tpu.memory_space<vmem>>
      %dma_wait3A_28 = tpu.memref_slice %arg3[%add3A_4] : memref<4096xi32, #tpu.memory_space<hbm>> -> memref<64xi32, #tpu.memory_space<hbm>>
      tpu.wait_dma2 semaphore(%run_scoped3A_14 : memref<!tpu.dma_semaphore, #tpu.memory_space<semaphore_mem>>) src(%dma_wait3A_28 : memref<64xi32, #tpu.memory_space<hbm>>) dst(%dma_wait3A_27 : memref<64xi32, #tpu.memory_space<vmem>>)
      tpu.yield
    }) : () -> ()
    %run_scoped3A_5 = arith.constant 0 : i32
    "tpu.region"() ({
      %run_scoped3A_14 = tpu.sem_alloc : memref<!tpu.dma_semaphore, #tpu.memory_space<semaphore_mem>>
      %dma_start3A = arith.constant 0 : i32
      %dma_start3A_15 = tpu.memref_slice %arg5[%run_scoped3A_5, %dma_start3A] : memref<2x64xi32, #tpu.memory_space<vmem>> -> memref<1x64xi32, #tpu.memory_space<vmem>>
      %dma_start3A_16 = tpu.memref_squeeze %dma_start3A_15 : memref<1x64xi32, #tpu.memory_space<vmem>> -> memref<64xi32, #tpu.memory_space<vmem>>
      %dma_start3A_17 = arith.constant 0 : i32
      %dma_start3A_18 = arith.constant 0 : i32
      %dma_start3A_19 = tpu.memref_slice %arg2[%dma_start3A_17, %dma_start3A_18] : memref<6144x1024xf32, #tpu.memory_space<hbm>> -> memref<6144x1024xf32, #tpu.memory_space<hbm>>
      tpu.enqueue_indirect_dma source(%dma_start3A_19 : memref<6144x1024xf32, #tpu.memory_space<hbm>>) target(%arg6 : memref<64x1024xf32, #tpu.memory_space<vmem>>) offsets(%dma_start3A_16 : memref<64xi32, #tpu.memory_space<vmem>>) semaphore(%run_scoped3A_14 : memref<!tpu.dma_semaphore, #tpu.memory_space<semaphore_mem>>)
      %dma_wait3A = arith.constant 0 : i32
      %dma_wait3A_20 = tpu.memref_slice %arg5[%run_scoped3A_5, %dma_wait3A] : memref<2x64xi32, #tpu.memory_space<vmem>> -> memref<1x64xi32, #tpu.memory_space<vmem>>
      %dma_wait3A_21 = tpu.memref_squeeze %dma_wait3A_20 : memref<1x64xi32, #tpu.memory_space<vmem>> -> memref<64xi32, #tpu.memory_space<vmem>>
      %dma_wait3A_22 = arith.constant 0 : i32
      %dma_wait3A_23 = arith.constant 0 : i32
      %dma_wait3A_24 = tpu.memref_slice %arg2[%dma_wait3A_22, %dma_wait3A_23] : memref<6144x1024xf32, #tpu.memory_space<hbm>> -> memref<6144x1024xf32, #tpu.memory_space<hbm>>
      tpu.wait_indirect_dma semaphore(%run_scoped3A_14 : memref<!tpu.dma_semaphore, #tpu.memory_space<semaphore_mem>>) src(%dma_wait3A_24 : memref<6144x1024xf32, #tpu.memory_space<hbm>>) dst(%arg6 : memref<64x1024xf32, #tpu.memory_space<vmem>>)
      tpu.yield
    }) : () -> ()
    %add3A_6 = arith.constant 0 : i32
    %add3A_7 = arith.addi %mul3A_2, %add3A_6 : i32
    "tpu.region"() ({
      %run_scoped3A_14 = tpu.sem_alloc : memref<!tpu.dma_semaphore, #tpu.memory_space<semaphore_mem>>
      %dma_start3A = arith.constant 0 : i32
      %dma_start3A_15 = tpu.memref_slice %arg4[%add3A_7, %dma_start3A] : memref<4096x1024xf32, #tpu.memory_space<hbm>> -> memref<64x1024xf32, #tpu.memory_space<hbm>>
      %dma_start3A_16 = arith.constant 0 : i32
      %dma_start3A_17 = tpu.memref_slice %arg4[%add3A_7, %dma_start3A_16] : memref<4096x1024xf32, #tpu.memory_space<hbm>> -> memref<64x1024xf32, #tpu.memory_space<hbm>>
      tpu.enqueue_dma source(%arg6 : memref<64x1024xf32, #tpu.memory_space<vmem>>) target(%dma_start3A_17 : memref<64x1024xf32, #tpu.memory_space<hbm>>) target_semaphore(%run_scoped3A_14 : memref<!tpu.dma_semaphore, #tpu.memory_space<semaphore_mem>>)
      %dma_wait3A = arith.constant 0 : i32
      %dma_wait3A_18 = tpu.memref_slice %arg4[%add3A_7, %dma_wait3A] : memref<4096x1024xf32, #tpu.memory_space<hbm>> -> memref<64x1024xf32, #tpu.memory_space<hbm>>
      %dma_wait3A_19 = arith.constant 0 : i32
      %dma_wait3A_20 = tpu.memref_slice %arg4[%add3A_7, %dma_wait3A_19] : memref<4096x1024xf32, #tpu.memory_space<hbm>> -> memref<64x1024xf32, #tpu.memory_space<hbm>>
      tpu.wait_dma2 semaphore(%run_scoped3A_14 : memref<!tpu.dma_semaphore, #tpu.memory_space<semaphore_mem>>) src(%arg6 : memref<64x1024xf32, #tpu.memory_space<vmem>>) dst(%dma_wait3A_20 : memref<64x1024xf32, #tpu.memory_space<hbm>>)
      tpu.yield
    }) : () -> ()
    %add3A_8 = arith.constant 64 : i32
    %add3A_9 = arith.addi %mul3A_2, %add3A_8 : i32
    %run_scoped3A_10 = arith.constant 1 : i32
    "tpu.region"() ({
      %run_scoped3A_14 = tpu.sem_alloc : memref<!tpu.dma_semaphore, #tpu.memory_space<semaphore_mem>>
      %dma_start3A = arith.constant 0 : i32
      %dma_start3A_15 = tpu.memref_slice %arg5[%run_scoped3A_10, %dma_start3A] : memref<2x64xi32, #tpu.memory_space<vmem>> -> memref<1x64xi32, #tpu.memory_space<vmem>>
      %dma_start3A_16 = tpu.memref_squeeze %dma_start3A_15 : memref<1x64xi32, #tpu.memory_space<vmem>> -> memref<64xi32, #tpu.memory_space<vmem>>
      %dma_start3A_17 = tpu.memref_slice %arg3[%add3A_9] : memref<4096xi32, #tpu.memory_space<hbm>> -> memref<64xi32, #tpu.memory_space<hbm>>
      %dma_start3A_18 = arith.constant 0 : i32
      %dma_start3A_19 = tpu.memref_slice %arg5[%run_scoped3A_10, %dma_start3A_18] : memref<2x64xi32, #tpu.memory_space<vmem>> -> memref<1x64xi32, #tpu.memory_space<vmem>>
      %dma_start3A_20 = tpu.memref_squeeze %dma_start3A_19 : memref<1x64xi32, #tpu.memory_space<vmem>> -> memref<64xi32, #tpu.memory_space<vmem>>
      %dma_start3A_21 = tpu.memref_slice %arg3[%add3A_9] : memref<4096xi32, #tpu.memory_space<hbm>> -> memref<64xi32, #tpu.memory_space<hbm>>
      tpu.enqueue_dma source(%dma_start3A_21 : memref<64xi32, #tpu.memory_space<hbm>>) target(%dma_start3A_20 : memref<64xi32, #tpu.memory_space<vmem>>) target_semaphore(%run_scoped3A_14 : memref<!tpu.dma_semaphore, #tpu.memory_space<semaphore_mem>>)
      %dma_wait3A = arith.constant 0 : i32
      %dma_wait3A_22 = tpu.memref_slice %arg5[%run_scoped3A_10, %dma_wait3A] : memref<2x64xi32, #tpu.memory_space<vmem>> -> memref<1x64xi32, #tpu.memory_space<vmem>>
      %dma_wait3A_23 = tpu.memref_squeeze %dma_wait3A_22 : memref<1x64xi32, #tpu.memory_space<vmem>> -> memref<64xi32, #tpu.memory_space<vmem>>
      %dma_wait3A_24 = tpu.memref_slice %arg3[%add3A_9] : memref<4096xi32, #tpu.memory_space<hbm>> -> memref<64xi32, #tpu.memory_space<hbm>>
      %dma_wait3A_25 = arith.constant 0 : i32
      %dma_wait3A_26 = tpu.memref_slice %arg5[%run_scoped3A_10, %dma_wait3A_25] : memref<2x64xi32, #tpu.memory_space<vmem>> -> memref<1x64xi32, #tpu.memory_space<vmem>>
      %dma_wait3A_27 = tpu.memref_squeeze %dma_wait3A_26 : memref<1x64xi32, #tpu.memory_space<vmem>> -> memref<64xi32, #tpu.memory_space<vmem>>
      %dma_wait3A_28 = tpu.memref_slice %arg3[%add3A_9] : memref<4096xi32, #tpu.memory_space<hbm>> -> memref<64xi32, #tpu.memory_space<hbm>>
      tpu.wait_dma2 semaphore(%run_scoped3A_14 : memref<!tpu.dma_semaphore, #tpu.memory_space<semaphore_mem>>) src(%dma_wait3A_28 : memref<64xi32, #tpu.memory_space<hbm>>) dst(%dma_wait3A_27 : memref<64xi32, #tpu.memory_space<vmem>>)
      tpu.yield
    }) : () -> ()
    %run_scoped3A_11 = arith.constant 1 : i32
    "tpu.region"() ({
      %run_scoped3A_14 = tpu.sem_alloc : memref<!tpu.dma_semaphore, #tpu.memory_space<semaphore_mem>>
      %dma_start3A = arith.constant 0 : i32
      %dma_start3A_15 = tpu.memref_slice %arg5[%run_scoped3A_11, %dma_start3A] : memref<2x64xi32, #tpu.memory_space<vmem>> -> memref<1x64xi32, #tpu.memory_space<vmem>>
      %dma_start3A_16 = tpu.memref_squeeze %dma_start3A_15 : memref<1x64xi32, #tpu.memory_space<vmem>> -> memref<64xi32, #tpu.memory_space<vmem>>
      %dma_start3A_17 = arith.constant 0 : i32
      %dma_start3A_18 = arith.constant 0 : i32
      %dma_start3A_19 = tpu.memref_slice %arg2[%dma_start3A_17, %dma_start3A_18] : memref<6144x1024xf32, #tpu.memory_space<hbm>> -> memref<6144x1024xf32, #tpu.memory_space<hbm>>
      tpu.enqueue_indirect_dma source(%dma_start3A_19 : memref<6144x1024xf32, #tpu.memory_space<hbm>>) target(%arg6 : memref<64x1024xf32, #tpu.memory_space<vmem>>) offsets(%dma_start3A_16 : memref<64xi32, #tpu.memory_space<vmem>>) semaphore(%run_scoped3A_14 : memref<!tpu.dma_semaphore, #tpu.memory_space<semaphore_mem>>)
      %dma_wait3A = arith.constant 0 : i32
      %dma_wait3A_20 = tpu.memref_slice %arg5[%run_scoped3A_11, %dma_wait3A] : memref<2x64xi32, #tpu.memory_space<vmem>> -> memref<1x64xi32, #tpu.memory_space<vmem>>
      %dma_wait3A_21 = tpu.memref_squeeze %dma_wait3A_20 : memref<1x64xi32, #tpu.memory_space<vmem>> -> memref<64xi32, #tpu.memory_space<vmem>>
      %dma_wait3A_22 = arith.constant 0 : i32
      %dma_wait3A_23 = arith.constant 0 : i32
      %dma_wait3A_24 = tpu.memref_slice %arg2[%dma_wait3A_22, %dma_wait3A_23] : memref<6144x1024xf32, #tpu.memory_space<hbm>> -> memref<6144x1024xf32, #tpu.memory_space<hbm>>
      tpu.wait_indirect_dma semaphore(%run_scoped3A_14 : memref<!tpu.dma_semaphore, #tpu.memory_space<semaphore_mem>>) src(%dma_wait3A_24 : memref<6144x1024xf32, #tpu.memory_space<hbm>>) dst(%arg6 : memref<64x1024xf32, #tpu.memory_space<vmem>>)
      tpu.yield
    }) : () -> ()
    %add3A_12 = arith.constant 64 : i32
    %add3A_13 = arith.addi %mul3A_2, %add3A_12 : i32
    "tpu.region"() ({
      %run_scoped3A_14 = tpu.sem_alloc : memref<!tpu.dma_semaphore, #tpu.memory_space<semaphore_mem>>
      %dma_start3A = arith.constant 0 : i32
      %dma_start3A_15 = tpu.memref_slice %arg4[%add3A_13, %dma_start3A] : memref<4096x1024xf32, #tpu.memory_space<hbm>> -> memref<64x1024xf32, #tpu.memory_space<hbm>>
      %dma_start3A_16 = arith.constant 0 : i32
      %dma_start3A_17 = tpu.memref_slice %arg4[%add3A_13, %dma_start3A_16] : memref<4096x1024xf32, #tpu.memory_space<hbm>> -> memref<64x1024xf32, #tpu.memory_space<hbm>>
      tpu.enqueue_dma source(%arg6 : memref<64x1024xf32, #tpu.memory_space<vmem>>) target(%dma_start3A_17 : memref<64x1024xf32, #tpu.memory_space<hbm>>) target_semaphore(%run_scoped3A_14 : memref<!tpu.dma_semaphore, #tpu.memory_space<semaphore_mem>>)
      %dma_wait3A = arith.constant 0 : i32
      %dma_wait3A_18 = tpu.memref_slice %arg4[%add3A_13, %dma_wait3A] : memref<4096x1024xf32, #tpu.memory_space<hbm>> -> memref<64x1024xf32, #tpu.memory_space<hbm>>
      %dma_wait3A_19 = arith.constant 0 : i32
      %dma_wait3A_20 = tpu.memref_slice %arg4[%add3A_13, %dma_wait3A_19] : memref<4096x1024xf32, #tpu.memory_space<hbm>> -> memref<64x1024xf32, #tpu.memory_space<hbm>>
      tpu.wait_dma2 semaphore(%run_scoped3A_14 : memref<!tpu.dma_semaphore, #tpu.memory_space<semaphore_mem>>) src(%arg6 : memref<64x1024xf32, #tpu.memory_space<vmem>>) dst(%dma_wait3A_20 : memref<64x1024xf32, #tpu.memory_space<hbm>>)
      tpu.yield
    }) : () -> ()
    return
  }
}

#map = affine_map<(d0, d1) -> (0, 0)>
#map1 = affine_map<(d0, d1) -> (0)>
module attributes {stable_mosaic.version = 14 : i64} {
  func.func @_sc_scatter(%arg0: i32, %arg1: i32, %arg2: memref<4096x1024xf32, #tpu.memory_space<hbm>>, %arg3: memref<4096xi32, #tpu.memory_space<hbm>>, %arg4: memref<6144x1024xf32, #tpu.memory_space<hbm>>, %arg5: memref<2x64xi32, #tpu.memory_space<vmem>>, %arg6: memref<64x1024xf32, #tpu.memory_space<vmem>>) attributes {dimension_semantics = [#tpu.dimension_semantics<core_parallel>, #tpu.dimension_semantics<subcore_parallel>], iteration_bounds = array<i64: 2, 16>, scalar_prefetch = 0 : i64, scratch_operands = 2 : i64, tpu.core_type = #tpu.core_type<sc_vector_subcore>, window_params = [{transform_indices = #map}, {transform_indices = #map1}, {transform_indices = #map}]} {
    %mul3A = arith.constant 2 : i32
    %mul3A_0 = arith.muli %arg1, %mul3A : i32
    %add3A = arith.addi %mul3A_0, %arg0 : i32
    %mul3A_1 = arith.constant 128 : i32
    %mul3A_2 = arith.muli %add3A, %mul3A_1 : i32
    %add3A_3 = arith.constant 0 : i32
    %add3A_4 = arith.addi %mul3A_2, %add3A_3 : i32
    %run_scoped3A = arith.constant 0 : i32
    "tpu.region"() ({
      %run_scoped3A_14 = tpu.sem_alloc : memref<!tpu.dma_semaphore, #tpu.memory_space<semaphore_mem>>
      %dma_start3A = arith.constant 0 : i32
      %dma_start3A_15 = tpu.memref_slice %arg5[%run_scoped3A, %dma_start3A] : memref<2x64xi32, #tpu.memory_space<vmem>> -> memref<1x64xi32, #tpu.memory_space<vmem>>
      %dma_start3A_16 = tpu.memref_squeeze %dma_start3A_15 : memref<1x64xi32, #tpu.memory_space<vmem>> -> memref<64xi32, #tpu.memory_space<vmem>>
      %dma_start3A_17 = tpu.memref_slice %arg3[%add3A_4] : memref<4096xi32, #tpu.memory_space<hbm>> -> memref<64xi32, #tpu.memory_space<hbm>>
      %dma_start3A_18 = arith.constant 0 : i32
      %dma_start3A_19 = tpu.memref_slice %arg5[%run_scoped3A, %dma_start3A_18] : memref<2x64xi32, #tpu.memory_space<vmem>> -> memref<1x64xi32, #tpu.memory_space<vmem>>
      %dma_start3A_20 = tpu.memref_squeeze %dma_start3A_19 : memref<1x64xi32, #tpu.memory_space<vmem>> -> memref<64xi32, #tpu.memory_space<vmem>>
      %dma_start3A_21 = tpu.memref_slice %arg3[%add3A_4] : memref<4096xi32, #tpu.memory_space<hbm>> -> memref<64xi32, #tpu.memory_space<hbm>>
      tpu.enqueue_dma source(%dma_start3A_21 : memref<64xi32, #tpu.memory_space<hbm>>) target(%dma_start3A_20 : memref<64xi32, #tpu.memory_space<vmem>>) target_semaphore(%run_scoped3A_14 : memref<!tpu.dma_semaphore, #tpu.memory_space<semaphore_mem>>)
      %dma_wait3A = arith.constant 0 : i32
      %dma_wait3A_22 = tpu.memref_slice %arg5[%run_scoped3A, %dma_wait3A] : memref<2x64xi32, #tpu.memory_space<vmem>> -> memref<1x64xi32, #tpu.memory_space<vmem>>
      %dma_wait3A_23 = tpu.memref_squeeze %dma_wait3A_22 : memref<1x64xi32, #tpu.memory_space<vmem>> -> memref<64xi32, #tpu.memory_space<vmem>>
      %dma_wait3A_24 = tpu.memref_slice %arg3[%add3A_4] : memref<4096xi32, #tpu.memory_space<hbm>> -> memref<64xi32, #tpu.memory_space<hbm>>
      %dma_wait3A_25 = arith.constant 0 : i32
      %dma_wait3A_26 = tpu.memref_slice %arg5[%run_scoped3A, %dma_wait3A_25] : memref<2x64xi32, #tpu.memory_space<vmem>> -> memref<1x64xi32, #tpu.memory_space<vmem>>
      %dma_wait3A_27 = tpu.memref_squeeze %dma_wait3A_26 : memref<1x64xi32, #tpu.memory_space<vmem>> -> memref<64xi32, #tpu.memory_space<vmem>>
      %dma_wait3A_28 = tpu.memref_slice %arg3[%add3A_4] : memref<4096xi32, #tpu.memory_space<hbm>> -> memref<64xi32, #tpu.memory_space<hbm>>
      tpu.wait_dma2 semaphore(%run_scoped3A_14 : memref<!tpu.dma_semaphore, #tpu.memory_space<semaphore_mem>>) src(%dma_wait3A_28 : memref<64xi32, #tpu.memory_space<hbm>>) dst(%dma_wait3A_27 : memref<64xi32, #tpu.memory_space<vmem>>)
      tpu.yield
    }) : () -> ()
    %add3A_5 = arith.constant 0 : i32
    %add3A_6 = arith.addi %mul3A_2, %add3A_5 : i32
    "tpu.region"() ({
      %run_scoped3A_14 = tpu.sem_alloc : memref<!tpu.dma_semaphore, #tpu.memory_space<semaphore_mem>>
      %dma_start3A = arith.constant 0 : i32
      %dma_start3A_15 = tpu.memref_slice %arg2[%add3A_6, %dma_start3A] : memref<4096x1024xf32, #tpu.memory_space<hbm>> -> memref<64x1024xf32, #tpu.memory_space<hbm>>
      %dma_start3A_16 = arith.constant 0 : i32
      %dma_start3A_17 = tpu.memref_slice %arg2[%add3A_6, %dma_start3A_16] : memref<4096x1024xf32, #tpu.memory_space<hbm>> -> memref<64x1024xf32, #tpu.memory_space<hbm>>
      tpu.enqueue_dma source(%dma_start3A_17 : memref<64x1024xf32, #tpu.memory_space<hbm>>) target(%arg6 : memref<64x1024xf32, #tpu.memory_space<vmem>>) target_semaphore(%run_scoped3A_14 : memref<!tpu.dma_semaphore, #tpu.memory_space<semaphore_mem>>)
      %dma_wait3A = arith.constant 0 : i32
      %dma_wait3A_18 = tpu.memref_slice %arg2[%add3A_6, %dma_wait3A] : memref<4096x1024xf32, #tpu.memory_space<hbm>> -> memref<64x1024xf32, #tpu.memory_space<hbm>>
      %dma_wait3A_19 = arith.constant 0 : i32
      %dma_wait3A_20 = tpu.memref_slice %arg2[%add3A_6, %dma_wait3A_19] : memref<4096x1024xf32, #tpu.memory_space<hbm>> -> memref<64x1024xf32, #tpu.memory_space<hbm>>
      tpu.wait_dma2 semaphore(%run_scoped3A_14 : memref<!tpu.dma_semaphore, #tpu.memory_space<semaphore_mem>>) src(%dma_wait3A_20 : memref<64x1024xf32, #tpu.memory_space<hbm>>) dst(%arg6 : memref<64x1024xf32, #tpu.memory_space<vmem>>)
      tpu.yield
    }) : () -> ()
    %run_scoped3A_7 = arith.constant 0 : i32
    "tpu.region"() ({
      %run_scoped3A_14 = tpu.sem_alloc : memref<!tpu.dma_semaphore, #tpu.memory_space<semaphore_mem>>
      %dma_start3A = arith.constant 0 : i32
      %dma_start3A_15 = tpu.memref_slice %arg5[%run_scoped3A_7, %dma_start3A] : memref<2x64xi32, #tpu.memory_space<vmem>> -> memref<1x64xi32, #tpu.memory_space<vmem>>
      %dma_start3A_16 = tpu.memref_squeeze %dma_start3A_15 : memref<1x64xi32, #tpu.memory_space<vmem>> -> memref<64xi32, #tpu.memory_space<vmem>>
      %dma_start3A_17 = arith.constant 0 : i32
      %dma_start3A_18 = arith.constant 0 : i32
      %dma_start3A_19 = tpu.memref_slice %arg4[%dma_start3A_17, %dma_start3A_18] : memref<6144x1024xf32, #tpu.memory_space<hbm>> -> memref<6144x1024xf32, #tpu.memory_space<hbm>>
      tpu.enqueue_indirect_dma source(%arg6 : memref<64x1024xf32, #tpu.memory_space<vmem>>) target(%dma_start3A_19 : memref<6144x1024xf32, #tpu.memory_space<hbm>>) offsets(%dma_start3A_16 : memref<64xi32, #tpu.memory_space<vmem>>) semaphore(%run_scoped3A_14 : memref<!tpu.dma_semaphore, #tpu.memory_space<semaphore_mem>>)
      %dma_wait3A = arith.constant 0 : i32
      %dma_wait3A_20 = tpu.memref_slice %arg5[%run_scoped3A_7, %dma_wait3A] : memref<2x64xi32, #tpu.memory_space<vmem>> -> memref<1x64xi32, #tpu.memory_space<vmem>>
      %dma_wait3A_21 = tpu.memref_squeeze %dma_wait3A_20 : memref<1x64xi32, #tpu.memory_space<vmem>> -> memref<64xi32, #tpu.memory_space<vmem>>
      %dma_wait3A_22 = arith.constant 0 : i32
      %dma_wait3A_23 = arith.constant 0 : i32
      %dma_wait3A_24 = tpu.memref_slice %arg4[%dma_wait3A_22, %dma_wait3A_23] : memref<6144x1024xf32, #tpu.memory_space<hbm>> -> memref<6144x1024xf32, #tpu.memory_space<hbm>>
      tpu.wait_indirect_dma semaphore(%run_scoped3A_14 : memref<!tpu.dma_semaphore, #tpu.memory_space<semaphore_mem>>) src(%arg6 : memref<64x1024xf32, #tpu.memory_space<vmem>>) dst(%dma_wait3A_24 : memref<6144x1024xf32, #tpu.memory_space<hbm>>)
      tpu.yield
    }) : () -> ()
    %add3A_8 = arith.constant 64 : i32
    %add3A_9 = arith.addi %mul3A_2, %add3A_8 : i32
    %run_scoped3A_10 = arith.constant 1 : i32
    "tpu.region"() ({
      %run_scoped3A_14 = tpu.sem_alloc : memref<!tpu.dma_semaphore, #tpu.memory_space<semaphore_mem>>
      %dma_start3A = arith.constant 0 : i32
      %dma_start3A_15 = tpu.memref_slice %arg5[%run_scoped3A_10, %dma_start3A] : memref<2x64xi32, #tpu.memory_space<vmem>> -> memref<1x64xi32, #tpu.memory_space<vmem>>
      %dma_start3A_16 = tpu.memref_squeeze %dma_start3A_15 : memref<1x64xi32, #tpu.memory_space<vmem>> -> memref<64xi32, #tpu.memory_space<vmem>>
      %dma_start3A_17 = tpu.memref_slice %arg3[%add3A_9] : memref<4096xi32, #tpu.memory_space<hbm>> -> memref<64xi32, #tpu.memory_space<hbm>>
      %dma_start3A_18 = arith.constant 0 : i32
      %dma_start3A_19 = tpu.memref_slice %arg5[%run_scoped3A_10, %dma_start3A_18] : memref<2x64xi32, #tpu.memory_space<vmem>> -> memref<1x64xi32, #tpu.memory_space<vmem>>
      %dma_start3A_20 = tpu.memref_squeeze %dma_start3A_19 : memref<1x64xi32, #tpu.memory_space<vmem>> -> memref<64xi32, #tpu.memory_space<vmem>>
      %dma_start3A_21 = tpu.memref_slice %arg3[%add3A_9] : memref<4096xi32, #tpu.memory_space<hbm>> -> memref<64xi32, #tpu.memory_space<hbm>>
      tpu.enqueue_dma source(%dma_start3A_21 : memref<64xi32, #tpu.memory_space<hbm>>) target(%dma_start3A_20 : memref<64xi32, #tpu.memory_space<vmem>>) target_semaphore(%run_scoped3A_14 : memref<!tpu.dma_semaphore, #tpu.memory_space<semaphore_mem>>)
      %dma_wait3A = arith.constant 0 : i32
      %dma_wait3A_22 = tpu.memref_slice %arg5[%run_scoped3A_10, %dma_wait3A] : memref<2x64xi32, #tpu.memory_space<vmem>> -> memref<1x64xi32, #tpu.memory_space<vmem>>
      %dma_wait3A_23 = tpu.memref_squeeze %dma_wait3A_22 : memref<1x64xi32, #tpu.memory_space<vmem>> -> memref<64xi32, #tpu.memory_space<vmem>>
      %dma_wait3A_24 = tpu.memref_slice %arg3[%add3A_9] : memref<4096xi32, #tpu.memory_space<hbm>> -> memref<64xi32, #tpu.memory_space<hbm>>
      %dma_wait3A_25 = arith.constant 0 : i32
      %dma_wait3A_26 = tpu.memref_slice %arg5[%run_scoped3A_10, %dma_wait3A_25] : memref<2x64xi32, #tpu.memory_space<vmem>> -> memref<1x64xi32, #tpu.memory_space<vmem>>
      %dma_wait3A_27 = tpu.memref_squeeze %dma_wait3A_26 : memref<1x64xi32, #tpu.memory_space<vmem>> -> memref<64xi32, #tpu.memory_space<vmem>>
      %dma_wait3A_28 = tpu.memref_slice %arg3[%add3A_9] : memref<4096xi32, #tpu.memory_space<hbm>> -> memref<64xi32, #tpu.memory_space<hbm>>
      tpu.wait_dma2 semaphore(%run_scoped3A_14 : memref<!tpu.dma_semaphore, #tpu.memory_space<semaphore_mem>>) src(%dma_wait3A_28 : memref<64xi32, #tpu.memory_space<hbm>>) dst(%dma_wait3A_27 : memref<64xi32, #tpu.memory_space<vmem>>)
      tpu.yield
    }) : () -> ()
    %add3A_11 = arith.constant 64 : i32
    %add3A_12 = arith.addi %mul3A_2, %add3A_11 : i32
    "tpu.region"() ({
      %run_scoped3A_14 = tpu.sem_alloc : memref<!tpu.dma_semaphore, #tpu.memory_space<semaphore_mem>>
      %dma_start3A = arith.constant 0 : i32
      %dma_start3A_15 = tpu.memref_slice %arg2[%add3A_12, %dma_start3A] : memref<4096x1024xf32, #tpu.memory_space<hbm>> -> memref<64x1024xf32, #tpu.memory_space<hbm>>
      %dma_start3A_16 = arith.constant 0 : i32
      %dma_start3A_17 = tpu.memref_slice %arg2[%add3A_12, %dma_start3A_16] : memref<4096x1024xf32, #tpu.memory_space<hbm>> -> memref<64x1024xf32, #tpu.memory_space<hbm>>
      tpu.enqueue_dma source(%dma_start3A_17 : memref<64x1024xf32, #tpu.memory_space<hbm>>) target(%arg6 : memref<64x1024xf32, #tpu.memory_space<vmem>>) target_semaphore(%run_scoped3A_14 : memref<!tpu.dma_semaphore, #tpu.memory_space<semaphore_mem>>)
      %dma_wait3A = arith.constant 0 : i32
      %dma_wait3A_18 = tpu.memref_slice %arg2[%add3A_12, %dma_wait3A] : memref<4096x1024xf32, #tpu.memory_space<hbm>> -> memref<64x1024xf32, #tpu.memory_space<hbm>>
      %dma_wait3A_19 = arith.constant 0 : i32
      %dma_wait3A_20 = tpu.memref_slice %arg2[%add3A_12, %dma_wait3A_19] : memref<4096x1024xf32, #tpu.memory_space<hbm>> -> memref<64x1024xf32, #tpu.memory_space<hbm>>
      tpu.wait_dma2 semaphore(%run_scoped3A_14 : memref<!tpu.dma_semaphore, #tpu.memory_space<semaphore_mem>>) src(%dma_wait3A_20 : memref<64x1024xf32, #tpu.memory_space<hbm>>) dst(%arg6 : memref<64x1024xf32, #tpu.memory_space<vmem>>)
      tpu.yield
    }) : () -> ()
    %run_scoped3A_13 = arith.constant 1 : i32
    "tpu.region"() ({
      %run_scoped3A_14 = tpu.sem_alloc : memref<!tpu.dma_semaphore, #tpu.memory_space<semaphore_mem>>
      %dma_start3A = arith.constant 0 : i32
      %dma_start3A_15 = tpu.memref_slice %arg5[%run_scoped3A_13, %dma_start3A] : memref<2x64xi32, #tpu.memory_space<vmem>> -> memref<1x64xi32, #tpu.memory_space<vmem>>
      %dma_start3A_16 = tpu.memref_squeeze %dma_start3A_15 : memref<1x64xi32, #tpu.memory_space<vmem>> -> memref<64xi32, #tpu.memory_space<vmem>>
      %dma_start3A_17 = arith.constant 0 : i32
      %dma_start3A_18 = arith.constant 0 : i32
      %dma_start3A_19 = tpu.memref_slice %arg4[%dma_start3A_17, %dma_start3A_18] : memref<6144x1024xf32, #tpu.memory_space<hbm>> -> memref<6144x1024xf32, #tpu.memory_space<hbm>>
      tpu.enqueue_indirect_dma source(%arg6 : memref<64x1024xf32, #tpu.memory_space<vmem>>) target(%dma_start3A_19 : memref<6144x1024xf32, #tpu.memory_space<hbm>>) offsets(%dma_start3A_16 : memref<64xi32, #tpu.memory_space<vmem>>) semaphore(%run_scoped3A_14 : memref<!tpu.dma_semaphore, #tpu.memory_space<semaphore_mem>>)
      %dma_wait3A = arith.constant 0 : i32
      %dma_wait3A_20 = tpu.memref_slice %arg5[%run_scoped3A_13, %dma_wait3A] : memref<2x64xi32, #tpu.memory_space<vmem>> -> memref<1x64xi32, #tpu.memory_space<vmem>>
      %dma_wait3A_21 = tpu.memref_squeeze %dma_wait3A_20 : memref<1x64xi32, #tpu.memory_space<vmem>> -> memref<64xi32, #tpu.memory_space<vmem>>
      %dma_wait3A_22 = arith.constant 0 : i32
      %dma_wait3A_23 = arith.constant 0 : i32
      %dma_wait3A_24 = tpu.memref_slice %arg4[%dma_wait3A_22, %dma_wait3A_23] : memref<6144x1024xf32, #tpu.memory_space<hbm>> -> memref<6144x1024xf32, #tpu.memory_space<hbm>>
      tpu.wait_indirect_dma semaphore(%run_scoped3A_14 : memref<!tpu.dma_semaphore, #tpu.memory_space<semaphore_mem>>) src(%arg6 : memref<64x1024xf32, #tpu.memory_space<vmem>>) dst(%dma_wait3A_24 : memref<6144x1024xf32, #tpu.memory_space<hbm>>)
      tpu.yield
    }) : () -> ()
    return
  }
}

module attributes {stable_mosaic.version = 14 : i64} {
  func.func @mm_kernel(%arg0: i32, %arg1: memref<24xi32, #tpu.memory_space<smem>>, %arg2: memref<1xi32, #tpu.memory_space<smem>>, %arg3: memref<256x1024xf32, #tpu.memory_space<vmem>>, %arg4: memref<8x1024x1024xbf16, #tpu.memory_space<vmem>>, %arg5: memref<8x1x1024xf32, #tpu.memory_space<vmem>>, %arg6: memref<256x1024xf32, #tpu.memory_space<vmem>>) attributes {dimension_semantics = [#tpu.dimension_semantics<arbitrary>], iteration_bounds = array<i64: 24>, scalar_prefetch = 2 : i64, scratch_operands = 0 : i64, tpu.core_type = #tpu.core_type<tc>, window_params = [{transform_indices = @transform_0, window_bounds = array<i64: 256, 1024>}, {pipeline_mode = #tpu.pipeline_mode<synchronous>, transform_indices = @transform_1, window_bounds = array<i64: 8, 1024, 1024>}, {pipeline_mode = #tpu.pipeline_mode<synchronous>, transform_indices = @transform_2, window_bounds = array<i64: 8, 1, 1024>}, {transform_indices = @transform_3, window_bounds = array<i64: 256, 1024>}]} {
    %get3A = arith.constant 0 : index
    %get3A_0 = memref.load %arg2[%get3A] : memref<1xi32, #tpu.memory_space<smem>>
    %lt3A = arith.cmpi slt, %arg0, %get3A_0 : i32
    %convert_element_type3A = arith.extui %lt3A : i1 to i32
    %cond3A = arith.constant 0 : i32
    %cond3A_1 = arith.cmpi ne, %convert_element_type3A, %cond3A : i32
    scf.if %cond3A_1 {
      %get3A_2 = arith.index_cast %arg0 : i32 to index
      %get3A_3 = memref.load %arg1[%get3A_2] : memref<24xi32, #tpu.memory_space<smem>>
      %get3A_4 = arith.constant 0 : index
      %get3A_5 = arith.constant 0 : index
      %get3A_6 = vector.load %arg3[%get3A_4, %get3A_5] : memref<256x1024xf32, #tpu.memory_space<vmem>>, vector<256x1024xf32>
      %convert_element_type3A_7 = arith.truncf %get3A_6 : vector<256x1024xf32> to vector<256x1024xbf16>
      %get3A_8 = arith.index_cast %get3A_3 : i32 to index
      %get3A_9 = arith.constant 0 : index
      %get3A_10 = arith.constant 0 : index
      %get3A_11 = vector.load %arg4[%get3A_8, %get3A_9, %get3A_10] : memref<8x1024x1024xbf16, #tpu.memory_space<vmem>>, vector<1x1024x1024xbf16>
      %get3A_12 = vector.shape_cast %get3A_11 : vector<1x1024x1024xbf16> to vector<1024x1024xbf16>
      %dot_general3A = arith.constant dense<0.000000e+00> : vector<256x1024xf32>
      %dot_general3A_13 = tpu.matmul %convert_element_type3A_7, %get3A_12, %dot_general3A {dimension_numbers = #tpu.dot_dimension_numbers<[1], [0], [0], [1], [0, 0, 1, 1], [], []>, transpose_lhs_hint = false} : vector<256x1024xbf16>, vector<1024x1024xbf16>, vector<256x1024xf32> -> vector<256x1024xf32>
      %get3A_14 = arith.index_cast %get3A_3 : i32 to index
      %get3A_15 = arith.constant 0 : index
      %get3A_16 = arith.constant 0 : index
      %get3A_17 = vector.load %arg5[%get3A_14, %get3A_15, %get3A_16] : memref<8x1x1024xf32, #tpu.memory_space<vmem>>, vector<1x1x1024xf32>
      %get3A_18 = vector.shape_cast %get3A_17 : vector<1x1x1024xf32> to vector<1x1024xf32>
      %add3A = vector.broadcast %get3A_18 : vector<1x1024xf32> to vector<256x1024xf32>
      %add3A_19 = arith.addf %dot_general3A_13, %add3A : vector<256x1024xf32>
      %swap3A = arith.constant 0 : index
      %swap3A_20 = arith.constant 0 : index
      %swap3A_21 = vector.load %arg6[%swap3A, %swap3A_20] : memref<256x1024xf32, #tpu.memory_space<vmem>>, vector<256x1024xf32>
      tpu.vector_store %arg6[%swap3A, %swap3A_20], %add3A_19 {strides = array<i32>} : memref<256x1024xf32, #tpu.memory_space<vmem>>, vector<256x1024xf32>,
    } else {
    }
    return
  }
  func.func @transform_0(%arg0: i32, %arg1: memref<24xi32, #tpu.memory_space<smem>>, %arg2: memref<1xi32, #tpu.memory_space<smem>>) -> (i32, i32) {
    %get3A = arith.constant 0 : index
    %get3A_0 = memref.load %arg2[%get3A] : memref<1xi32, #tpu.memory_space<smem>>
    %sub3A = arith.constant 1 : i32
    %sub3A_1 = arith.subi %get3A_0, %sub3A : i32
    %min3A = arith.minsi %arg0, %sub3A_1 : i32
    %c0_i32 = arith.constant 0 : i32
    %c0_i32_2 = arith.constant 0 : i32
    return %min3A, %c0_i32 : i32, i32
  }
  func.func @transform_1(%arg0: i32, %arg1: memref<24xi32, #tpu.memory_space<smem>>, %arg2: memref<1xi32, #tpu.memory_space<smem>>) -> (i32, i32, i32) {
    %c0_i32 = arith.constant 0 : i32
    %c0_i32_0 = arith.constant 0 : i32
    %c0_i32_1 = arith.constant 0 : i32
    %c0_i32_2 = arith.constant 0 : i32
    return %c0_i32, %c0_i32_0, %c0_i32_1 : i32, i32, i32
  }
  func.func @transform_2(%arg0: i32, %arg1: memref<24xi32, #tpu.memory_space<smem>>, %arg2: memref<1xi32, #tpu.memory_space<smem>>) -> (i32, i32, i32) {
    %c0_i32 = arith.constant 0 : i32
    %c0_i32_0 = arith.constant 0 : i32
    %c0_i32_1 = arith.constant 0 : i32
    %c0_i32_2 = arith.constant 0 : i32
    return %c0_i32, %c0_i32_0, %c0_i32_1 : i32, i32, i32
  }
  func.func @transform_3(%arg0: i32, %arg1: memref<24xi32, #tpu.memory_space<smem>>, %arg2: memref<1xi32, #tpu.memory_space<smem>>) -> (i32, i32) {
    %get3A = arith.constant 0 : index
    %get3A_0 = memref.load %arg2[%get3A] : memref<1xi32, #tpu.memory_space<smem>>
    %sub3A = arith.constant 1 : i32
    %sub3A_1 = arith.subi %get3A_0, %sub3A : i32
    %min3A = arith.minsi %arg0, %sub3A_1 : i32
    %c0_i32 = arith.constant 0 : i32
    %c0_i32_2 = arith.constant 0 : i32
    return %min3A, %c0_i32 : i32, i32
  }
}

</mosaic_0001>

<sc_bundles>
// kernel: kernel.5.cloned.1.call-start
scs
__scs_entry_jumppad:
0x0: {  	(pc) =	sbr.rel $0x88, $3  }
0x1: {  	(tag) =	ssettag $0x0;
	lr =	simm.s32 $0x1  }
0x2: {  	[smem:$0x3F9D] =	sst lr;
	_ =	strace $0xD0000000  }
0x3: {  	_ = 	snop  }
0x4: {  	_ = 	snop  }
0x5: {  	_ = 	snop  }
0x6: {  	_ = 	snop  }
0x7: {  	_ = 	snop  }
__scs_overlays_trampoline_lowered:
0x8: {  	[smem:$0x3FAC] =	sst s0  }
0x9: {  	[smem:$0x3FAD] =	sst s1  }
0xa: {  	[smem:$0x3FAE] =	sst s2  }
0xb: {  	[smem:$0x3FAF] =	sst s3  }
0xc: {  	[smem:$0x3FB0] =	sst s4  }
0xd: {  	[smem:$0x3FB1] =	sst s5  }
0xe: {  	[smem:$0x3FB2] =	sst s6  }
0xf: {  	[smem:$0x3FB3] =	sst s7  }
0x10: {  	[smem:$0x3FB4] =	sst s8  }
0x11: {  	[smem:$0x3FB5] =	sst s9;
	s0 =	simm.s32 @!p0 $0x0  }
0x12: {  	s1 =	sld [smem:$0x3F9B];
	s0 =	simm.s32 @p0 $0x1  }
0x13: {  	[smem:$0x3FB6] =	sst s0;
	s0 =	simm.s32 @!p1 $0x0  }
0x14: {  	s2 =	sld [smem:$0x3F9A];
	s0 =	simm.s32 @p1 $0x1  }
0x15: {  	[smem:$0x3FB7] =	sst s0;
	s0 =	simm.s32 @!p2 $0x0  }
0x16: {  	s3 =	sld [smem:$0x3FDB];
	s0 =	simm.s32 @p2 $0x1  }
0x17: {  	s4 =	simm.s32 $0x1BF5;
	[smem:$0x3FB9] =	sst s0  }
0x18: {  	s0 =	sld [smem:$0x3F9C];
	_ =	swait.ge [sflag:s4], $0x0  }
0x19: {  	s7 =	sld [smem:$0x3F9D]  }
0x1a: {  	s8 =	sadd.s32 $0xFFFFE003, lr  }
0x1b: {  	s9 =	sadd.s32 $0xFFFFFEF7, lr;
	s5 =	simm.s32 $0xFFFFFFFF;
	p2 =	slt.u32 s8, $0xFFFFF086  }
0x1c: {  	p1 =	slt.u32 s9, $0xF7A;
	s5 =	simm.s32 @!p2 $0x0  }
0x1d: {  	s5 =	simm.s32 @p1 $0x1;
	p0 =	seq.s32 s7, s2  }
0x1e: {  	s7 =	smul.u32 @!p0 $0xF7A, s2;
	p2 =	seq.s32 @!p0 s5, $0x0  }
0x1f: {  	s9 =	smul.u32 $0xF7A, s1;
	s8 =	simm.s32 @!p0 $0x1BF5;
	p2 =	por !p2, p0  }
0x20: {  	[sflag:s8] =	ssyncset.s32 @!p0 $0xFFFFF086;
	s6 =	sadd.s32 @!p0 s3, s7;
	s7 =	simm.s32 @!p0 $0x108  }
0x21: {  	s3 =	sadd.s32 s3, s9;
	s6 =	sadd.s32 @!p0 $0x88, s6;
	s7 =	simm.s32 @p2 $0x1082  }
0x22: {  	[simem:s7], [sflag:s8] =	dma.local @!p0 [hbm:s6], $0xF7A  }
0x23: {  	s9 =	sor.u32 $0xD0000000, s2;
	s6 =	simm.s32 $0x108;
	_ =	swait.ge @!p0 [sflag:s8], $0x0  }
0x24: {  	s3 =	sadd.s32 $0x88, s3;
	s6 =	simm.s32 @!p1 $0x1082;
	[sflag:s4] =	ssyncset.s32 $0xFFFFF086  }
0x25: {  	[simem:s6], [sflag:s4] =	dma.local [hbm:s3], $0xF7A  }
0x26: {  	[smem:$0x3F9D] =	sst s1;
	(tag) =	ssettag s2;
	_ =	strace s9  }
0x27: {  	s1 =	sld [smem:$0x3FAD]  }
0x28: {  	s2 =	sld [smem:$0x3FAE]  }
0x29: {  	s4 =	sld [smem:$0x3FB0]  }
0x2a: {  	p0 =	seq.s32 s5, $0x0;
	s5 =	sld [smem:$0x3FB1]  }
0x2b: {  	s6 =	sld [smem:$0x3FB2]  }
0x2c: {  	s7 =	sld [smem:$0x3FB3]  }
0x2d: {  	s3 =	simm.s32 $0x108;
	s8 =	sld [smem:$0x3FB4]  }
0x2e: {  	s3 =	simm.s32 @!p0 $0x1082;
	s9 =	sld [smem:$0x3FB5]  }
0x2f: {  	lr =	sadd.s32 s0, s3;
	s0 =	sld [smem:$0x3FAC]  }
0x30: {  	s3 =	sld [smem:$0x3FAF]  }
0x31: {  	[smem:$0x3FB8] =	sst s10  }
0x32: {  	s10 =	sld [smem:$0x3FB6];
	_ =	sdelay $0x3  }
0x33: {  	p0 =	seq.s32 s10, $0x1;
	s10 =	sld [smem:$0x3FB8];
	_ =	sdelay $0x3  }
0x34: {  	[smem:$0x3FB8] =	sst s10  }
0x35: {  	s10 =	sld [smem:$0x3FB7];
	_ =	sdelay $0x3  }
0x36: {  	p1 =	seq.s32 s10, $0x1;
	s10 =	sld [smem:$0x3FB8];
	_ =	sdelay $0x3  }
0x37: {  	[smem:$0x3FB8] =	sst s10  }
0x38: {  	s10 =	sld [smem:$0x3FB9]  }
0x39: {  	_ = 	snop;
	(pc) =	sbr.ind lr, $3  }
0x3a: {  	_ = 	snop  }
0x3b: {  	_ = 	snop  }
0x3c: {  	p2 =	seq.s32 s10, $0x1;
	s10 =	sld [smem:$0x3FB8]  }
0x3d: {  	_ =	shalt  }
0x3e: {  	_ =	shalt  }
0x3f: {  	_ =	shalt  }
0x40: {  	_ =	shalt  }
0x41: {  	_ =	shalt  }
0x42: {  	_ =	shalt  }
0x43: {  	_ =	shalt  }
0x44: {  	_ =	shalt  }
0x45: {  	_ =	shalt  }
0x46: {  	_ =	shalt  }
0x47: {  	_ =	shalt  }
0x48: {  	_ =	shalt  }
0x49: {  	_ =	shalt  }
0x4a: {  	_ =	shalt  }
0x4b: {  	_ =	shalt  }
0x4c: {  	_ =	shalt  }
0x4d: {  	_ =	shalt  }
0x4e: {  	_ =	shalt  }
0x4f: {  	_ =	shalt  }
0x50: {  	_ =	shalt  }
0x51: {  	_ =	shalt  }
0x52: {  	_ =	shalt  }
0x53: {  	_ =	shalt  }
0x54: {  	_ =	shalt  }
0x55: {  	_ =	shalt  }
0x56: {  	_ =	shalt  }
0x57: {  	_ =	shalt  }
0x58: {  	_ =	shalt  }
0x59: {  	_ =	shalt  }
0x5a: {  	_ =	shalt  }
0x5b: {  	_ =	shalt  }
0x5c: {  	_ =	shalt  }
0x5d: {  	_ =	shalt  }
0x5e: {  	_ =	shalt  }
0x5f: {  	_ =	shalt  }
0x60: {  	_ =	shalt  }
0x61: {  	_ =	shalt  }
0x62: {  	_ =	shalt  }
0x63: {  	_ =	shalt  }
0x64: {  	_ =	shalt  }
0x65: {  	_ =	shalt  }
0x66: {  	_ =	shalt  }
0x67: {  	_ =	shalt  }
0x68: {  	_ =	shalt  }
0x69: {  	_ =	shalt  }
0x6a: {  	_ =	shalt  }
0x6b: {  	_ =	shalt  }
0x6c: {  	_ =	shalt  }
0x6d: {  	_ =	shalt  }
0x6e: {  	_ =	shalt  }
0x6f: {  	_ =	shalt  }
0x70: {  	_ =	shalt  }
0x71: {  	_ =	shalt  }
0x72: {  	_ =	shalt  }
0x73: {  	_ =	shalt  }
0x74: {  	_ =	shalt  }
0x75: {  	_ =	shalt  }
0x76: {  	_ =	shalt  }
0x77: {  	_ =	shalt  }
0x78: {  	_ =	shalt  }
0x79: {  	_ =	shalt  }
0x7a: {  	_ =	shalt  }
0x7b: {  	_ =	shalt  }
0x7c: {  	_ =	shalt  }
0x7d: {  	_ =	shalt  }
0x7e: {  	_ =	shalt  }
0x7f: {  	_ =	shalt  }
0x80: {  	_ =	shalt  }
0x81: {  	_ =	shalt  }
0x82: {  	_ =	shalt  }
0x83: {  	_ =	shalt  }
0x84: {  	_ =	shalt  }
0x85: {  	_ =	shalt  }
0x86: {  	_ =	shalt  }
0x87: {  	_ =	shalt  }
.Lfunc_end0:
.L_simem_size_0:
called_computation_lowered:
.L_overlay_start_0:
0x88: {  	s2 =	sld [smem:$0x3FD9]  }
0x89: {  	s3 =	sld [smem:$0x3FFE];
	_ =	sdelay $0x1  }
0x8a: {  	s1 =	srdreg.scid  }
0x8b: {  	s0 =	sand.u32 $0x1, s1  }
0x8c: {  	s17 =	sshll.u32 s0, $0xA;
	s2 =	sadd.s32 s3, s2  }
0x8d: {  	s2 =	sadd.s32 s2, s17  }
0x8e: {  	[smem:$0x3FC4] =	sst s2  }
0x8f: {  	_ = 	snop  }
0x90: {  	s2 =	sld [smem:$0x3FC9];
	(tm) =	ssettm $0x1  }
0x91: {  	s18 =	sld [smem:$0x3FFB];
	_ =	sdelay $0x3  }
0x92: {  	_ =	strace s18  }
0x93: {  	s3 =	sld [smem:$0x3FFC];
	_ =	sdelay $0x3  }
0x94: {  	_ =	strace s3  }
0x95: {  	s3 =	sld [smem:$0x3FFD];
	_ =	sdelay $0x3  }
0x96: {  	_ =	strace s3  }
0x97: {  	_ =	strace $0x8FFFFFFF  }
0x98: {  	s19 =	sld [smem:$0x3FDB];
	_ =	sdelay $0x1  }
0x99: {  	s4 =	simm.s32 $_scs_section_size  }
0x9a: {  	s5 =	simm.s32 $_size__tile_overlayer_lowered;
	s6 =	simm.s32 $_tile_overlayer_lowered  }
0x9b: {  	s22 =	simm.s32 $0x1BFF;
	s21 =	sshll.u32 s6, $0x1;
	s3 =	sadd.s32 s4, s19  }
0x9c: {  	s7 =	simm.s32 $0x0;
	s20 =	sshll.u32 s5, $0x1;
	s5 =	sadd.s32 s21, s3  }
0x9d: {  	[timem:s7], [sflag:s22] =	dma.local [hbm:s5], s20  }
0x9e: {  	_ =	swait.ge [sflag:s22], s20  }
0x9f: {  	s4 =	ssub.s32 $0x0, s20;
	[sflag:s22] =	ssyncset.done $0x0  }
0xa0: {  	[sflag:s22] =	ssyncadd.s32 s4;
	_ =	sdelay $0x1  }
0xa1: {  	s23 =	simm.s32 $0x1B8B  }
0xa2: {  	_ =	swait.ge [sflag:s23], $0x1  }
0xa3: {  	[sflag:s23] =	ssyncset.done $0x0  }
0xa4: {  	s25 =	simm.s32 $0x1B8E;
	s24 =	sld [smem:$0x3FFE];
	[sflag:s23] =	ssyncadd.s32 $0xFFFFFFFF  }
0xa5: {  	s26 =	simm.s32 $execute0_lowered;
	[smem:$0x3FD2] =	sst s25  }
0xa6: {  	s5 =	sshll.u32 s26, $0x1;
	_ =	strace $0x80000046;
	[dreg:$0x1] =	wrdreg $0xFFFFFFFF  }
0xa7: {  	s28 =	simm.s32 $_size_execute0_lowered;
	s3 =	sadd.s32 s3, s5;
	[dreg:$0x0] =	wrdreg $0x0  }
0xa8: {  	s5 =	sshll.u32 s28, $0x1;
	[dreg:$0x2] =	wrdreg s3  }
0xa9: {  	[dreg:$0x3] =	wrdreg s5  }
0xaa: {  	[dreg:$0x4] =	wrdreg $0xC0  }
0xab: {  	_ =	task [dreg:s7], $0x5FFFF  }
0xac: {  	[dreg:$0x1] =	wrdreg $0xFFFFFFFF  }
0xad: {  	[dreg:$0x0] =	wrdreg $0x60  }
0xae: {  	[dreg:$0x2] =	wrdreg s2  }
0xaf: {  	[dreg:$0x3] =	wrdreg s24  }
0xb0: {  	[dreg:$0x4] =	wrdreg $0x9  }
0xb1: {  	_ =	task.clear_ibuf [dreg:s7], $0x5FFFF;
	_ =	strace $0x90000046  }
0xb2: {  	s29 =	simm.s32 $0x9;
	_ =	strace $0x80000048  }
0xb3: {  	_ =	swait.ge [sflag:s29], $0x1  }
0xb4: {  	[sflag:s29] =	ssyncadd.s32 $0xFFFFFFFF  }
0xb5: {  	_ =	strace $0x90000048  }
0xb6: {  	_ =	sfence  }
0xb7: {  	s30 =	sld [smem:$0x0];
	_ =	sdelay $0x2  }
0xb8: {  	s31 =	sshll.u32 s1, $0xD;
	s1 =	sshrl.u32 s1, $0x2  }
0xb9: {  	s3 =	sand.u32 $0x4000, s31;
	s1 =	sadd.s32 s1, s30  }
0xba: {  	s0 =	sor.u32 s3, s0;
	s1 =	sshll.u32 s1, $0x11  }
0xbb: {  	s0 =	sor.u32 s1, s0  }
0xbc: {  	s0 =	sadd.s32 $0x8F2B, s0  }
0xbd: {  	[sflag:s0] =	ssyncadd.remote.s32 $0x1  }
0xbe: {  	_ =	sfence.sel $0xFFFF  }
0xbf: {  	[dreg:$0x0] =	wrdreg $0xFFFFFFFF;
	(pc) =	sbr.abs _section_cstart, $3  }
0xc0: {  	[dreg:$0x1] =	wrdreg $0xFFFFFFFF  }
0xc1: {  	_ =	task.clear_ibuf [dreg:s7], $0x2FFFF;
	_ =	strace $0x9FFFFFFF  }
0xc2: {  	(tm) =	ssettm $0x7FFFFFFF  }
0xc3: {  	_ =	shalt  }
tec
execute0_lowered:
.L_overlay_start_1:
0x0: {  	(tag) =	ssettag $0x1  }
0x1: {  	s0 =	rddreg [dreg:$0x0]  }
0x2: {  	s1 =	rddreg [dreg:$0x1];
	s2 =	simm.s32 $0x0;
	s3 =	srdreg.scid  }
0x3: {  	s5 =	stileid.u32;
	s8 =	simm.s32 $0x1;
	s26 =	simm.s32 $0x80  }
0x4: {  	s20 =	simm.s32 $0x900;
	s21 =	simm.s32 $0x1100;
	s28 =	simm.s32 $0x4100  }
0x5: {  	s29 =	simm.s32 $0x4900;
	s30 =	simm.s32 $0x5100;
	s31 =	simm.s32 $0x5900  }
0x6: {  	s10 =	simm.s32 $0x7100;
	s11 =	simm.s32 $0x7900;
	s12 =	simm.s32 $0x8100  }
0x7: {  	s13 =	simm.s32 $0x8900;
	s14 =	simm.s32 $0x9100;
	s15 =	simm.s32 $0x9900  }
0x8: {  	s16 =	simm.s32 $0xA100;
	s17 =	simm.s32 $0xA900;
	s9 =	simm.s32 $0xB100  }
0x9: {  	[smem:$0x7FF] =	sst s2;
	s3 =	sand.u32 $0x1, s3;
	s5 =	sshll.u32 s5, $0x8  }
0xa: {  	s4 =	ssub.s32 $0x2, s3;
	s3 =	sshll.u32 s3, $0x7;
	_ =	strace $0x80000047  }
0xb: {  	[dreg:$0x7] =	wrdreg s26;
	s26 =	simm.s32 $0x3900;
	s6 =	sshrl.u32 s4, $0x1  }
0xc: {  	s5 =	sor.u32 s3, s5;
	s3 =	sadd.s32 $0x200, s1;
	s7 =	ssub.s32 s4, s6  }
0xd: {  	s22 =	sshrl.u32 s5, $0x3;
	s23 =	sshll.u32 s5, $0x7;
	s5 =	sor.u32 $0x40, s5  }
0xe: {  	s4 =	sadd.s32 s1, s22;
	s24 =	sadd.s32 s0, s23;
	s25 =	sshrl.u32 s5, $0x3  }
0xf: {  	s5 =	sshll.u32 s5, $0x7;
	s7 =	smax.u32 s7, $0x1;
	[dreg:$0x3] =	wrdreg s4  }
0x10: {  	s22 =	simm.s32 $0x1900;
	s23 =	simm.s32 $0x2100;
	[dreg:$0x4] =	wrdreg s24  }
0x11: {  	v2 =	vlaneseq.u32;
	s6 =	sadd.s32 s1, s25;
	s4 =	sadd.s32 $0x300, s1;
	s0 =	sadd.s32 s0, s5  }
0x12: {  	vm0 =	vmmov $0xffff;
	v1 =	vshrl.u32 v2, $0x3;
	s5 =	sadd.s32 $0x400, s1;
	s24 =	simm.s32 $0x2900;
	[dreg:$0x5] =	wrdreg s6  }
0x13: {  	v0 =	vand.u32 $0x7, v2;
	v2 =	vor.u32 $0x8, v2;
	v1 =	vmul.u32 $0x8, v1;
	s25 =	simm.s32 $0x3100;
	s6 =	sadd.s32 $0x500, s1;
	[dreg:$0x6] =	wrdreg s0  }
.LBB2_1:
0x14: {  	s18 =	rddreg [dreg:$0x3]  }
0x15: {  	[tilespmem:s2], [sflag:$0x1] =	stream.linear.gather [hbm4b:s18+s2], $0x40, $0x38;
	[tilespmem:$0x10100] =	vst v63  }
0x16: {  	_ =	swait.ge [sflag:s8], $0x40  }
0x17: {  	[sflag:s8] =	ssyncset.done $0x0  }
0x18: {  	s0 =	simm.s32 $0x100;
	s1 =	rddreg [dreg:$0x4];
	[sflag:s8] =	ssyncadd.s32 $0xFFFFFFC0  }
0x19: {  	[tilespmem:s0], [sflag:$0x1] =	stream.linear.gather [hbm4b:s1+s2], $0x10000, $0x38;
	[tilespmem:$0x10100] =	vst v63  }
0x1a: {  	_ =	swait.ge [sflag:s8], $0x10000  }
0x1b: {  	[sflag:s8] =	ssyncset.done $0x0  }
0x1c: {  	[sflag:s8] =	ssyncadd.s32 $0xFFFF0000  }
0x1d: {  	v3 =	vld [tilespmem:$0x0];
	_ =	sdelay $0x4  }
0x1e: {  	v4 =	vshll.u32 v3, $0x3  }
0x1f: {  	v3 =	vand.u32 $0x7, v3;
	v4 =	vand.u32 $0xFFFFFFC0, v4  }
0x20: {  	v3 =	vor.u32 v3, v4  }
0x21: {  	v4 =	vperm.xlane v3, v0;
	_ =	sdelay $0x1  }
0x22: {  	v4 =	vadd.s32 v1, v4;
	_ =	sdelay $0x4  }
0x23: {  	[hbm4b:s3+s2] =	stream.indirect_vreg.scatter [tilespmem:s0], [sflag:$0x1], $0x80, v4, vm0, $0xb8;
	[tilespmem:$0x10100] =	vst v63  }
0x24: {  	v3 =	vperm.xlane v3, v2  }
0x25: {  	[hbm4b:s4+s2] =	stream.indirect_vreg.scatter [tilespmem:s20], [sflag:$0x1], $0x80, v4, vm0, $0xb8;
	[tilespmem:$0x10100] =	vst v63  }
0x26: {  	v3 =	vadd.s32 v1, v3  }
0x27: {  	[hbm4b:s5+s2] =	stream.indirect_vreg.scatter [tilespmem:s21], [sflag:$0x1], $0x80, v4, vm0, $0xb8;
	[tilespmem:$0x10100] =	vst v63  }
0x28: {  	_ = 	snop  }
0x29: {  	[hbm4b:s6+s2] =	stream.indirect_vreg.scatter [tilespmem:s22], [sflag:$0x1], $0x80, v4, vm0, $0xb8;
	[tilespmem:$0x10100] =	vst v63  }
0x2a: {  	_ = 	snop  }
0x2b: {  	[hbm4b:s3+s2] =	stream.indirect_vreg.scatter [tilespmem:s23], [sflag:$0x1], $0x80, v3, vm0, $0xb8;
	[tilespmem:$0x10100] =	vst v63  }
0x2c: {  	_ = 	snop  }
0x2d: {  	[hbm4b:s4+s2] =	stream.indirect_vreg.scatter [tilespmem:s24], [sflag:$0x1], $0x80, v3, vm0, $0xb8;
	[tilespmem:$0x10100] =	vst v63  }
0x2e: {  	_ = 	snop  }
0x2f: {  	[hbm4b:s5+s2] =	stream.indirect_vreg.scatter [tilespmem:s25], [sflag:$0x1], $0x80, v3, vm0, $0xb8;
	[tilespmem:$0x10100] =	vst v63  }
0x30: {  	_ = 	snop  }
0x31: {  	[hbm4b:s6+s2] =	stream.indirect_vreg.scatter [tilespmem:s26], [sflag:$0x1], $0x80, v3, vm0, $0xb8;
	[tilespmem:$0x10100] =	vst v63  }
0x32: {  	v3 =	vld [tilespmem:$0x10];
	_ =	sdelay $0x4  }
0x33: {  	v57 =	vshll.u32 v3, $0x3  }
0x34: {  	v3 =	vand.u32 $0x7, v3;
	v4 =	vand.u32 $0xFFFFFFC0, v57  }
0x35: {  	v3 =	vor.u32 v3, v4  }
0x36: {  	v4 =	vperm.xlane v3, v0;
	_ =	sdelay $0x1  }
0x37: {  	v4 =	vadd.s32 v1, v4;
	_ =	sdelay $0x4  }
0x38: {  	[hbm4b:s3+s2] =	stream.indirect_vreg.scatter [tilespmem:s28], [sflag:$0x1], $0x80, v4, vm0, $0xb8;
	[tilespmem:$0x10100] =	vst v63  }
0x39: {  	v3 =	vperm.xlane v3, v2  }
0x3a: {  	[hbm4b:s4+s2] =	stream.indirect_vreg.scatter [tilespmem:s29], [sflag:$0x1], $0x80, v4, vm0, $0xb8;
	[tilespmem:$0x10100] =	vst v63  }
0x3b: {  	v3 =	vadd.s32 v1, v3  }
0x3c: {  	[hbm4b:s5+s2] =	stream.indirect_vreg.scatter [tilespmem:s30], [sflag:$0x1], $0x80, v4, vm0, $0xb8;
	[tilespmem:$0x10100] =	vst v63  }
0x3d: {  	_ = 	snop  }
0x3e: {  	[hbm4b:s6+s2] =	stream.indirect_vreg.scatter [tilespmem:s31], [sflag:$0x1], $0x80, v4, vm0, $0xb8;
	[tilespmem:$0x10100] =	vst v63  }
0x3f: {  	s1 =	simm.s32 $0x6100  }
0x40: {  	[hbm4b:s3+s2] =	stream.indirect_vreg.scatter [tilespmem:s1], [sflag:$0x1], $0x80, v3, vm0, $0xb8;
	[tilespmem:$0x10100] =	vst v63  }
0x41: {  	s1 =	simm.s32 $0x6900  }
0x42: {  	[hbm4b:s4+s2] =	stream.indirect_vreg.scatter [tilespmem:s1], [sflag:$0x1], $0x80, v3, vm0, $0xb8;
	[tilespmem:$0x10100] =	vst v63  }
0x43: {  	_ = 	snop  }
0x44: {  	[hbm4b:s5+s2] =	stream.indirect_vreg.scatter [tilespmem:s10], [sflag:$0x1], $0x80, v3, vm0, $0xb8;
	[tilespmem:$0x10100] =	vst v63  }
0x45: {  	_ = 	snop  }
0x46: {  	[hbm4b:s6+s2] =	stream.indirect_vreg.scatter [tilespmem:s11], [sflag:$0x1], $0x80, v3, vm0, $0xb8;
	[tilespmem:$0x10100] =	vst v63  }
0x47: {  	v3 =	vld [tilespmem:$0x20];
	_ =	sdelay $0x4  }
0x48: {  	v58 =	vshll.u32 v3, $0x3  }
0x49: {  	v3 =	vand.u32 $0x7, v3;
	v4 =	vand.u32 $0xFFFFFFC0, v58  }
0x4a: {  	v3 =	vor.u32 v3, v4  }
0x4b: {  	v4 =	vperm.xlane v3, v0;
	_ =	sdelay $0x1  }
0x4c: {  	v4 =	vadd.s32 v1, v4;
	_ =	sdelay $0x4  }
0x4d: {  	[hbm4b:s3+s2] =	stream.indirect_vreg.scatter [tilespmem:s12], [sflag:$0x1], $0x80, v4, vm0, $0xb8;
	[tilespmem:$0x10100] =	vst v63  }
0x4e: {  	v3 =	vperm.xlane v3, v2  }
0x4f: {  	[hbm4b:s4+s2] =	stream.indirect_vreg.scatter [tilespmem:s13], [sflag:$0x1], $0x80, v4, vm0, $0xb8;
	[tilespmem:$0x10100] =	vst v63  }
0x50: {  	v3 =	vadd.s32 v1, v3  }
0x51: {  	[hbm4b:s5+s2] =	stream.indirect_vreg.scatter [tilespmem:s14], [sflag:$0x1], $0x80, v4, vm0, $0xb8;
	[tilespmem:$0x10100] =	vst v63  }
0x52: {  	_ = 	snop  }
0x53: {  	[hbm4b:s6+s2] =	stream.indirect_vreg.scatter [tilespmem:s15], [sflag:$0x1], $0x80, v4, vm0, $0xb8;
	[tilespmem:$0x10100] =	vst v63  }
0x54: {  	_ = 	snop  }
0x55: {  	[hbm4b:s3+s2] =	stream.indirect_vreg.scatter [tilespmem:s16], [sflag:$0x1], $0x80, v3, vm0, $0xb8;
	[tilespmem:$0x10100] =	vst v63  }
0x56: {  	_ = 	snop  }
0x57: {  	[hbm4b:s4+s2] =	stream.indirect_vreg.scatter [tilespmem:s17], [sflag:$0x1], $0x80, v3, vm0, $0xb8;
	[tilespmem:$0x10100] =	vst v63  }
0x58: {  	_ = 	snop  }
0x59: {  	[hbm4b:s5+s2] =	stream.indirect_vreg.scatter [tilespmem:s9], [sflag:$0x1], $0x80, v3, vm0, $0xb8;
	[tilespmem:$0x10100] =	vst v63  }
0x5a: {  	s19 =	simm.s32 $0xB900  }
0x5b: {  	[hbm4b:s6+s2] =	stream.indirect_vreg.scatter [tilespmem:s19], [sflag:$0x1], $0x80, v3, vm0, $0xb8;
	[tilespmem:$0x10100] =	vst v63  }
0x5c: {  	v3 =	vld [tilespmem:$0x30];
	_ =	sdelay $0x4  }
0x5d: {  	v59 =	vshll.u32 v3, $0x3  }
0x5e: {  	v3 =	vand.u32 $0x7, v3;
	v4 =	vand.u32 $0xFFFFFFC0, v59  }
0x5f: {  	v3 =	vor.u32 v3, v4  }
0x60: {  	v4 =	vperm.xlane v3, v0;
	_ =	sdelay $0x1  }
0x61: {  	v4 =	vadd.s32 v1, v4;
	_ =	sdelay $0x3  }
0x62: {  	s19 =	simm.s32 $0xC100  }
0x63: {  	[hbm4b:s3+s2] =	stream.indirect_vreg.scatter [tilespmem:s19], [sflag:$0x1], $0x80, v4, vm0, $0xb8;
	[tilespmem:$0x10100] =	vst v63  }
0x64: {  	v3 =	vperm.xlane v3, v2;
	s19 =	simm.s32 $0xC900  }
0x65: {  	[hbm4b:s4+s2] =	stream.indirect_vreg.scatter [tilespmem:s19], [sflag:$0x1], $0x80, v4, vm0, $0xb8;
	[tilespmem:$0x10100] =	vst v63  }
0x66: {  	v3 =	vadd.s32 v1, v3;
	s19 =	simm.s32 $0xD100  }
0x67: {  	[hbm4b:s5+s2] =	stream.indirect_vreg.scatter [tilespmem:s19], [sflag:$0x1], $0x80, v4, vm0, $0xb8;
	[tilespmem:$0x10100] =	vst v63  }
0x68: {  	s19 =	simm.s32 $0xD900  }
0x69: {  	[hbm4b:s6+s2] =	stream.indirect_vreg.scatter [tilespmem:s19], [sflag:$0x1], $0x80, v4, vm0, $0xb8;
	[tilespmem:$0x10100] =	vst v63  }
0x6a: {  	s19 =	simm.s32 $0xE100  }
0x6b: {  	[hbm4b:s3+s2] =	stream.indirect_vreg.scatter [tilespmem:s19], [sflag:$0x1], $0x80, v3, vm0, $0xb8;
	[tilespmem:$0x10100] =	vst v63  }
0x6c: {  	s19 =	simm.s32 $0xE900  }
0x6d: {  	[hbm4b:s4+s2] =	stream.indirect_vreg.scatter [tilespmem:s19], [sflag:$0x1], $0x80, v3, vm0, $0xb8;
	[tilespmem:$0x10100] =	vst v63  }
0x6e: {  	s19 =	simm.s32 $0xF100  }
0x6f: {  	[hbm4b:s5+s2] =	stream.indirect_vreg.scatter [tilespmem:s19], [sflag:$0x1], $0x80, v3, vm0, $0xb8;
	[tilespmem:$0x10100] =	vst v63  }
0x70: {  	s19 =	simm.s32 $0xF900  }
0x71: {  	[hbm4b:s6+s2] =	stream.indirect_vreg.scatter [tilespmem:s19], [sflag:$0x1], $0x80, v3, vm0, $0xb8;
	[tilespmem:$0x10100] =	vst v63  }
0x72: {  	_ =	swait.ge [sflag:s8], $0x10000  }
0x73: {  	s18 =	rddreg [dreg:$0x5];
	[sflag:s8] =	ssyncset.done $0x0  }
0x74: {  	s19 =	rddreg [dreg:$0x7];
	[sflag:s8] =	ssyncadd.s32 $0xFFFF0000  }
0x75: {  	[tilespmem:s19], [sflag:$0x1] =	stream.linear.gather [hbm4b:s18+s2], $0x40, $0x38;
	[tilespmem:$0x10100] =	vst v63  }
0x76: {  	_ =	swait.ge [sflag:s8], $0x40  }
0x77: {  	[sflag:s8] =	ssyncset.done $0x0  }
0x78: {  	s19 =	rddreg [dreg:$0x6];
	[sflag:s8] =	ssyncadd.s32 $0xFFFFFFC0  }
0x79: {  	[tilespmem:s0], [sflag:$0x1] =	stream.linear.gather [hbm4b:s19+s2], $0x10000, $0x38;
	[tilespmem:$0x10100] =	vst v63  }
0x7a: {  	_ =	swait.ge [sflag:s8], $0x10000  }
0x7b: {  	[sflag:s8] =	ssyncset.done $0x0  }
0x7c: {  	[sflag:s8] =	ssyncadd.s32 $0xFFFF0000  }
0x7d: {  	v3 =	vld [tilespmem:$0x80];
	_ =	sdelay $0x4  }
0x7e: {  	v60 =	vshll.u32 v3, $0x3  }
0x7f: {  	v3 =	vand.u32 $0x7, v3;
	v4 =	vand.u32 $0xFFFFFFC0, v60  }
0x80: {  	v3 =	vor.u32 v3, v4  }
0x81: {  	v4 =	vperm.xlane v3, v0;
	_ =	sdelay $0x1  }
0x82: {  	v4 =	vadd.s32 v1, v4;
	_ =	sdelay $0x4  }
0x83: {  	[hbm4b:s3+s2] =	stream.indirect_vreg.scatter [tilespmem:s0], [sflag:$0x1], $0x80, v4, vm0, $0xb8;
	[tilespmem:$0x10100] =	vst v63  }
0x84: {  	v3 =	vperm.xlane v3, v2  }
0x85: {  	[hbm4b:s4+s2] =	stream.indirect_vreg.scatter [tilespmem:s20], [sflag:$0x1], $0x80, v4, vm0, $0xb8;
	[tilespmem:$0x10100] =	vst v63  }
0x86: {  	v3 =	vadd.s32 v1, v3  }
0x87: {  	[hbm4b:s5+s2] =	stream.indirect_vreg.scatter [tilespmem:s21], [sflag:$0x1], $0x80, v4, vm0, $0xb8;
	[tilespmem:$0x10100] =	vst v63  }
0x88: {  	_ = 	snop  }
0x89: {  	[hbm4b:s6+s2] =	stream.indirect_vreg.scatter [tilespmem:s22], [sflag:$0x1], $0x80, v4, vm0, $0xb8;
	[tilespmem:$0x10100] =	vst v63  }
0x8a: {  	_ = 	snop  }
0x8b: {  	[hbm4b:s3+s2] =	stream.indirect_vreg.scatter [tilespmem:s23], [sflag:$0x1], $0x80, v3, vm0, $0xb8;
	[tilespmem:$0x10100] =	vst v63  }
0x8c: {  	_ = 	snop  }
0x8d: {  	[hbm4b:s4+s2] =	stream.indirect_vreg.scatter [tilespmem:s24], [sflag:$0x1], $0x80, v3, vm0, $0xb8;
	[tilespmem:$0x10100] =	vst v63  }
0x8e: {  	_ = 	snop  }
0x8f: {  	[hbm4b:s5+s2] =	stream.indirect_vreg.scatter [tilespmem:s25], [sflag:$0x1], $0x80, v3, vm0, $0xb8;
	[tilespmem:$0x10100] =	vst v63  }
0x90: {  	_ = 	snop  }
0x91: {  	[hbm4b:s6+s2] =	stream.indirect_vreg.scatter [tilespmem:s26], [sflag:$0x1], $0x80, v3, vm0, $0xb8;
	[tilespmem:$0x10100] =	vst v63  }
0x92: {  	v3 =	vld [tilespmem:$0x90];
	_ =	sdelay $0x4  }
0x93: {  	v61 =	vshll.u32 v3, $0x3  }
0x94: {  	v3 =	vand.u32 $0x7, v3;
	v4 =	vand.u32 $0xFFFFFFC0, v61  }
0x95: {  	v3 =	vor.u32 v3, v4  }
0x96: {  	v4 =	vperm.xlane v3, v0;
	_ =	sdelay $0x1  }
0x97: {  	v4 =	vadd.s32 v1, v4;
	_ =	sdelay $0x4  }
0x98: {  	[hbm4b:s3+s2] =	stream.indirect_vreg.scatter [tilespmem:s28], [sflag:$0x1], $0x80, v4, vm0, $0xb8;
	[tilespmem:$0x10100] =	vst v63  }
0x99: {  	v3 =	vperm.xlane v3, v2  }
0x9a: {  	[hbm4b:s4+s2] =	stream.indirect_vreg.scatter [tilespmem:s29], [sflag:$0x1], $0x80, v4, vm0, $0xb8;
	[tilespmem:$0x10100] =	vst v63  }
0x9b: {  	v3 =	vadd.s32 v1, v3  }
0x9c: {  	[hbm4b:s5+s2] =	stream.indirect_vreg.scatter [tilespmem:s30], [sflag:$0x1], $0x80, v4, vm0, $0xb8;
	[tilespmem:$0x10100] =	vst v63  }
0x9d: {  	_ = 	snop  }
0x9e: {  	[hbm4b:s6+s2] =	stream.indirect_vreg.scatter [tilespmem:s31], [sflag:$0x1], $0x80, v4, vm0, $0xb8;
	[tilespmem:$0x10100] =	vst v63  }
0x9f: {  	s19 =	simm.s32 $0x6100  }
0xa0: {  	[hbm4b:s3+s2] =	stream.indirect_vreg.scatter [tilespmem:s19], [sflag:$0x1], $0x80, v3, vm0, $0xb8;
	[tilespmem:$0x10100] =	vst v63  }
0xa1: {  	_ = 	snop  }
0xa2: {  	[hbm4b:s4+s2] =	stream.indirect_vreg.scatter [tilespmem:s1], [sflag:$0x1], $0x80, v3, vm0, $0xb8;
	[tilespmem:$0x10100] =	vst v63  }
0xa3: {  	_ = 	snop  }
0xa4: {  	[hbm4b:s5+s2] =	stream.indirect_vreg.scatter [tilespmem:s10], [sflag:$0x1], $0x80, v3, vm0, $0xb8;
	[tilespmem:$0x10100] =	vst v63  }
0xa5: {  	_ = 	snop  }
0xa6: {  	[hbm4b:s6+s2] =	stream.indirect_vreg.scatter [tilespmem:s11], [sflag:$0x1], $0x80, v3, vm0, $0xb8;
	[tilespmem:$0x10100] =	vst v63  }
0xa7: {  	v3 =	vld [tilespmem:$0xA0];
	_ =	sdelay $0x4  }
0xa8: {  	v62 =	vshll.u32 v3, $0x3  }
0xa9: {  	v3 =	vand.u32 $0x7, v3;
	v4 =	vand.u32 $0xFFFFFFC0, v62  }
0xaa: {  	v3 =	vor.u32 v3, v4  }
0xab: {  	v4 =	vperm.xlane v3, v0;
	_ =	sdelay $0x1  }
0xac: {  	v4 =	vadd.s32 v1, v4;
	_ =	sdelay $0x4  }
0xad: {  	[hbm4b:s3+s2] =	stream.indirect_vreg.scatter [tilespmem:s12], [sflag:$0x1], $0x80, v4, vm0, $0xb8;
	[tilespmem:$0x10100] =	vst v63  }
0xae: {  	v3 =	vperm.xlane v3, v2  }
0xaf: {  	[hbm4b:s4+s2] =	stream.indirect_vreg.scatter [tilespmem:s13], [sflag:$0x1], $0x80, v4, vm0, $0xb8;
	[tilespmem:$0x10100] =	vst v63  }
0xb0: {  	v3 =	vadd.s32 v1, v3  }
0xb1: {  	[hbm4b:s5+s2] =	stream.indirect_vreg.scatter [tilespmem:s14], [sflag:$0x1], $0x80, v4, vm0, $0xb8;
	[tilespmem:$0x10100] =	vst v63  }
0xb2: {  	_ = 	snop  }
0xb3: {  	[hbm4b:s6+s2] =	stream.indirect_vreg.scatter [tilespmem:s15], [sflag:$0x1], $0x80, v4, vm0, $0xb8;
	[tilespmem:$0x10100] =	vst v63  }
0xb4: {  	_ = 	snop  }
0xb5: {  	[hbm4b:s3+s2] =	stream.indirect_vreg.scatter [tilespmem:s16], [sflag:$0x1], $0x80, v3, vm0, $0xb8;
	[tilespmem:$0x10100] =	vst v63  }
0xb6: {  	_ = 	snop  }
0xb7: {  	[hbm4b:s4+s2] =	stream.indirect_vreg.scatter [tilespmem:s17], [sflag:$0x1], $0x80, v3, vm0, $0xb8;
	[tilespmem:$0x10100] =	vst v63  }
0xb8: {  	_ = 	snop  }
0xb9: {  	[hbm4b:s5+s2] =	stream.indirect_vreg.scatter [tilespmem:s9], [sflag:$0x1], $0x80, v3, vm0, $0xb8;
	[tilespmem:$0x10100] =	vst v63  }
0xba: {  	s1 =	simm.s32 $0xB900  }
0xbb: {  	[hbm4b:s6+s2] =	stream.indirect_vreg.scatter [tilespmem:s1], [sflag:$0x1], $0x80, v3, vm0, $0xb8;
	[tilespmem:$0x10100] =	vst v63  }
0xbc: {  	v3 =	vld [tilespmem:$0xB0];
	_ =	sdelay $0x4  }
0xbd: {  	v63 =	vshll.u32 v3, $0x3  }
0xbe: {  	v3 =	vand.u32 $0x7, v3;
	v4 =	vand.u32 $0xFFFFFFC0, v63  }
0xbf: {  	v3 =	vor.u32 v3, v4  }
0xc0: {  	v4 =	vperm.xlane v3, v0;
	_ =	sdelay $0x1  }
0xc1: {  	v4 =	vadd.s32 v1, v4;
	_ =	sdelay $0x3  }
0xc2: {  	s18 =	simm.s32 $0xC100  }
0xc3: {  	[hbm4b:s3+s2] =	stream.indirect_vreg.scatter [tilespmem:s18], [sflag:$0x1], $0x80, v4, vm0, $0xb8;
	[tilespmem:$0x10100] =	vst v63  }
0xc4: {  	s19 =	simm.s32 $0xC900;
	v3 =	vperm.xlane v3, v2  }
0xc5: {  	[hbm4b:s4+s2] =	stream.indirect_vreg.scatter [tilespmem:s19], [sflag:$0x1], $0x80, v4, vm0, $0xb8;
	[tilespmem:$0x10100] =	vst v63  }
0xc6: {  	s1 =	simm.s32 $0xD100;
	v3 =	vadd.s32 v1, v3  }
0xc7: {  	[hbm4b:s5+s2] =	stream.indirect_vreg.scatter [tilespmem:s1], [sflag:$0x1], $0x80, v4, vm0, $0xb8;
	[tilespmem:$0x10100] =	vst v63  }
0xc8: {  	s18 =	simm.s32 $0xD900  }
0xc9: {  	[hbm4b:s6+s2] =	stream.indirect_vreg.scatter [tilespmem:s18], [sflag:$0x1], $0x80, v4, vm0, $0xb8;
	[tilespmem:$0x10100] =	vst v63  }
0xca: {  	s19 =	simm.s32 $0xE100  }
0xcb: {  	[hbm4b:s3+s2] =	stream.indirect_vreg.scatter [tilespmem:s19], [sflag:$0x1], $0x80, v3, vm0, $0xb8;
	[tilespmem:$0x10100] =	vst v63  }
0xcc: {  	s1 =	simm.s32 $0xE900  }
0xcd: {  	[hbm4b:s4+s2] =	stream.indirect_vreg.scatter [tilespmem:s1], [sflag:$0x1], $0x80, v3, vm0, $0xb8;
	[tilespmem:$0x10100] =	vst v63  }
0xce: {  	p0 =	sne.s32 s7, $0x1;
	s18 =	simm.s32 $0xF100  }
0xcf: {  	[hbm4b:s5+s2] =	stream.indirect_vreg.scatter [tilespmem:s18], [sflag:$0x1], $0x80, v3, vm0, $0xb8;
	[tilespmem:$0x10100] =	vst v63  }
.Ltmp0:
0xd0: {  	s19 =	simm.s32 $0xF900;
	(pc) =	sbr.rel @p0 .LBB2_1-.Ltmp0, $4  }
0xd1: {  	[hbm4b:s6+s2] =	stream.indirect_vreg.scatter [tilespmem:s19], [sflag:$0x1], $0x80, v3, vm0, $0xb8;
	[tilespmem:$0x10100] =	vst v63  }
0xd2: {  	_ =	swait.ge [sflag:s8], $0x10000  }
0xd3: {  	[sflag:s8] =	ssyncset.done $0x0  }
0xd4: {  	s7 =	sadd.s32 $0xFFFFFFFF, s7;
	[sflag:s8] =	ssyncadd.s32 $0xFFFF0000  }
0xd5: {  	_ =	sfence.sel $0x180000  }
0xd6: {  	[bflag:$0x0] =	sbarrier.arrive $0xFFFF  }
0xd7: {  	_ =	strace $0x90000047  }
0xd8: {  	s0 =	stileid.u32;
	[bflag:$0x2] =	sbarrier.arrive $0xFFFF  }
0xd9: {  	p0 =	sne.s32 s0, $0x0;
	s0 =	rddreg [dreg:$0x2]  }
0xda: {  	s0 =	sadd.s32 @!p0 $0x100000, s0  }
0xdb: {  	[sflag:s0] =	ssyncadd.tile.s32 @!p0 $0x1;
	_ =	shalt  }
.Lfunc_end2:
_tile_overlayer_lowered:
.L_overlay_start_2:
0xdc: {  	(tag) =	ssettag $0x2  }
0xdd: {  	s0 =	rddreg [dreg:$0x0];
	s2 =	stileid.u32  }
0xde: {  	s1 =	rddreg [dreg:$0x1];
	p0 =	sne.s32 s2, $0x0  }
0xdf: {  	s3 =	rddreg [dreg:$0x2];
	[bflag:$0x3] =	sbarrier.arrive $0xFFFF;
	s2 =	simm.s32 @!p0 $0x1C01  }
0xe0: {  	[timem:s3], [sflag:s2] =	dma.local @!p0 [hbm:s0], s1  }
0xe1: {  	s0 =	simm.s32 @!p0 $0x1  }
0xe2: {  	_ =	swait.ge @!p0 [sflag:s0], s1  }
0xe3: {  	s1 =	ssub.s32 @!p0 $0x0, s1;
	[sflag:s0] =	ssyncset.done @!p0 $0x0  }
0xe4: {  	[sflag:s0] =	ssyncadd.s32 @!p0 s1  }
0xe5: {  	[bflag:$0x3] =	sbarrier.arrive $0xFFFF  }
0xe6: {  	_ =	shalt  }

// kernel: kernel.8.cloned.1.call-start
scs
__scs_entry_jumppad:
0x0: {  	(pc) =	sbr.rel $0x88, $3  }
0x1: {  	(tag) =	ssettag $0x0;
	lr =	simm.s32 $0x1  }
0x2: {  	[smem:$0x3F9D] =	sst lr;
	_ =	strace $0xD0000000  }
0x3: {  	_ = 	snop  }
0x4: {  	_ = 	snop  }
0x5: {  	_ = 	snop  }
0x6: {  	_ = 	snop  }
0x7: {  	_ = 	snop  }
__scs_overlays_trampoline_lowered:
0x8: {  	[smem:$0x3FAC] =	sst s0  }
0x9: {  	[smem:$0x3FAD] =	sst s1  }
0xa: {  	[smem:$0x3FAE] =	sst s2  }
0xb: {  	[smem:$0x3FAF] =	sst s3  }
0xc: {  	[smem:$0x3FB0] =	sst s4  }
0xd: {  	[smem:$0x3FB1] =	sst s5  }
0xe: {  	[smem:$0x3FB2] =	sst s6  }
0xf: {  	[smem:$0x3FB3] =	sst s7  }
0x10: {  	[smem:$0x3FB4] =	sst s8  }
0x11: {  	[smem:$0x3FB5] =	sst s9;
	s0 =	simm.s32 @!p0 $0x0  }
0x12: {  	s1 =	sld [smem:$0x3F9B];
	s0 =	simm.s32 @p0 $0x1  }
0x13: {  	[smem:$0x3FB6] =	sst s0;
	s0 =	simm.s32 @!p1 $0x0  }
0x14: {  	s2 =	sld [smem:$0x3F9A];
	s0 =	simm.s32 @p1 $0x1  }
0x15: {  	[smem:$0x3FB7] =	sst s0;
	s0 =	simm.s32 @!p2 $0x0  }
0x16: {  	s3 =	sld [smem:$0x3FDB];
	s0 =	simm.s32 @p2 $0x1  }
0x17: {  	s4 =	simm.s32 $0x1BF5;
	[smem:$0x3FB9] =	sst s0  }
0x18: {  	s0 =	sld [smem:$0x3F9C];
	_ =	swait.ge [sflag:s4], $0x0  }
0x19: {  	s7 =	sld [smem:$0x3F9D]  }
0x1a: {  	s8 =	sadd.s32 $0xFFFFE003, lr  }
0x1b: {  	s9 =	sadd.s32 $0xFFFFFEF7, lr;
	s5 =	simm.s32 $0xFFFFFFFF;
	p2 =	slt.u32 s8, $0xFFFFF086  }
0x1c: {  	p1 =	slt.u32 s9, $0xF7A;
	s5 =	simm.s32 @!p2 $0x0  }
0x1d: {  	s5 =	simm.s32 @p1 $0x1;
	p0 =	seq.s32 s7, s2  }
0x1e: {  	s7 =	smul.u32 @!p0 $0xF7A, s2;
	p2 =	seq.s32 @!p0 s5, $0x0  }
0x1f: {  	s9 =	smul.u32 $0xF7A, s1;
	s8 =	simm.s32 @!p0 $0x1BF5;
	p2 =	por !p2, p0  }
0x20: {  	[sflag:s8] =	ssyncset.s32 @!p0 $0xFFFFF086;
	s6 =	sadd.s32 @!p0 s3, s7;
	s7 =	simm.s32 @!p0 $0x108  }
0x21: {  	s3 =	sadd.s32 s3, s9;
	s6 =	sadd.s32 @!p0 $0x88, s6;
	s7 =	simm.s32 @p2 $0x1082  }
0x22: {  	[simem:s7], [sflag:s8] =	dma.local @!p0 [hbm:s6], $0xF7A  }
0x23: {  	s9 =	sor.u32 $0xD0000000, s2;
	s6 =	simm.s32 $0x108;
	_ =	swait.ge @!p0 [sflag:s8], $0x0  }
0x24: {  	s3 =	sadd.s32 $0x88, s3;
	s6 =	simm.s32 @!p1 $0x1082;
	[sflag:s4] =	ssyncset.s32 $0xFFFFF086  }
0x25: {  	[simem:s6], [sflag:s4] =	dma.local [hbm:s3], $0xF7A  }
0x26: {  	[smem:$0x3F9D] =	sst s1;
	(tag) =	ssettag s2;
	_ =	strace s9  }
0x27: {  	s1 =	sld [smem:$0x3FAD]  }
0x28: {  	s2 =	sld [smem:$0x3FAE]  }
0x29: {  	s4 =	sld [smem:$0x3FB0]  }
0x2a: {  	p0 =	seq.s32 s5, $0x0;
	s5 =	sld [smem:$0x3FB1]  }
0x2b: {  	s6 =	sld [smem:$0x3FB2]  }
0x2c: {  	s7 =	sld [smem:$0x3FB3]  }
0x2d: {  	s3 =	simm.s32 $0x108;
	s8 =	sld [smem:$0x3FB4]  }
0x2e: {  	s3 =	simm.s32 @!p0 $0x1082;
	s9 =	sld [smem:$0x3FB5]  }
0x2f: {  	lr =	sadd.s32 s0, s3;
	s0 =	sld [smem:$0x3FAC]  }
0x30: {  	s3 =	sld [smem:$0x3FAF]  }
0x31: {  	[smem:$0x3FB8] =	sst s10  }
0x32: {  	s10 =	sld [smem:$0x3FB6];
	_ =	sdelay $0x3  }
0x33: {  	p0 =	seq.s32 s10, $0x1;
	s10 =	sld [smem:$0x3FB8];
	_ =	sdelay $0x3  }
0x34: {  	[smem:$0x3FB8] =	sst s10  }
0x35: {  	s10 =	sld [smem:$0x3FB7];
	_ =	sdelay $0x3  }
0x36: {  	p1 =	seq.s32 s10, $0x1;
	s10 =	sld [smem:$0x3FB8];
	_ =	sdelay $0x3  }
0x37: {  	[smem:$0x3FB8] =	sst s10  }
0x38: {  	s10 =	sld [smem:$0x3FB9]  }
0x39: {  	_ = 	snop;
	(pc) =	sbr.ind lr, $3  }
0x3a: {  	_ = 	snop  }
0x3b: {  	_ = 	snop  }
0x3c: {  	p2 =	seq.s32 s10, $0x1;
	s10 =	sld [smem:$0x3FB8]  }
0x3d: {  	_ =	shalt  }
0x3e: {  	_ =	shalt  }
0x3f: {  	_ =	shalt  }
0x40: {  	_ =	shalt  }
0x41: {  	_ =	shalt  }
0x42: {  	_ =	shalt  }
0x43: {  	_ =	shalt  }
0x44: {  	_ =	shalt  }
0x45: {  	_ =	shalt  }
0x46: {  	_ =	shalt  }
0x47: {  	_ =	shalt  }
0x48: {  	_ =	shalt  }
0x49: {  	_ =	shalt  }
0x4a: {  	_ =	shalt  }
0x4b: {  	_ =	shalt  }
0x4c: {  	_ =	shalt  }
0x4d: {  	_ =	shalt  }
0x4e: {  	_ =	shalt  }
0x4f: {  	_ =	shalt  }
0x50: {  	_ =	shalt  }
0x51: {  	_ =	shalt  }
0x52: {  	_ =	shalt  }
0x53: {  	_ =	shalt  }
0x54: {  	_ =	shalt  }
0x55: {  	_ =	shalt  }
0x56: {  	_ =	shalt  }
0x57: {  	_ =	shalt  }
0x58: {  	_ =	shalt  }
0x59: {  	_ =	shalt  }
0x5a: {  	_ =	shalt  }
0x5b: {  	_ =	shalt  }
0x5c: {  	_ =	shalt  }
0x5d: {  	_ =	shalt  }
0x5e: {  	_ =	shalt  }
0x5f: {  	_ =	shalt  }
0x60: {  	_ =	shalt  }
0x61: {  	_ =	shalt  }
0x62: {  	_ =	shalt  }
0x63: {  	_ =	shalt  }
0x64: {  	_ =	shalt  }
0x65: {  	_ =	shalt  }
0x66: {  	_ =	shalt  }
0x67: {  	_ =	shalt  }
0x68: {  	_ =	shalt  }
0x69: {  	_ =	shalt  }
0x6a: {  	_ =	shalt  }
0x6b: {  	_ =	shalt  }
0x6c: {  	_ =	shalt  }
0x6d: {  	_ =	shalt  }
0x6e: {  	_ =	shalt  }
0x6f: {  	_ =	shalt  }
0x70: {  	_ =	shalt  }
0x71: {  	_ =	shalt  }
0x72: {  	_ =	shalt  }
0x73: {  	_ =	shalt  }
0x74: {  	_ =	shalt  }
0x75: {  	_ =	shalt  }
0x76: {  	_ =	shalt  }
0x77: {  	_ =	shalt  }
0x78: {  	_ =	shalt  }
0x79: {  	_ =	shalt  }
0x7a: {  	_ =	shalt  }
0x7b: {  	_ =	shalt  }
0x7c: {  	_ =	shalt  }
0x7d: {  	_ =	shalt  }
0x7e: {  	_ =	shalt  }
0x7f: {  	_ =	shalt  }
0x80: {  	_ =	shalt  }
0x81: {  	_ =	shalt  }
0x82: {  	_ =	shalt  }
0x83: {  	_ =	shalt  }
0x84: {  	_ =	shalt  }
0x85: {  	_ =	shalt  }
0x86: {  	_ =	shalt  }
0x87: {  	_ =	shalt  }
.Lfunc_end0:
.L_simem_size_0:
called_computation.1_lowered:
.L_overlay_start_0:
0x88: {  	s2 =	sld [smem:$0x3FD9]  }
0x89: {  	s3 =	sld [smem:$0x3FFE];
	_ =	sdelay $0x1  }
0x8a: {  	s1 =	srdreg.scid  }
0x8b: {  	s0 =	sand.u32 $0x1, s1  }
0x8c: {  	s17 =	sshll.u32 s0, $0xA;
	s2 =	sadd.s32 s3, s2  }
0x8d: {  	s2 =	sadd.s32 s2, s17  }
0x8e: {  	[smem:$0x3FC4] =	sst s2  }
0x8f: {  	_ = 	snop  }
0x90: {  	s2 =	sld [smem:$0x3FD0];
	(tm) =	ssettm $0x1  }
0x91: {  	s18 =	sld [smem:$0x3FFB];
	_ =	sdelay $0x3  }
0x92: {  	_ =	strace s18  }
0x93: {  	s3 =	sld [smem:$0x3FFC];
	_ =	sdelay $0x3  }
0x94: {  	_ =	strace s3  }
0x95: {  	s3 =	sld [smem:$0x3FFD];
	_ =	sdelay $0x3  }
0x96: {  	_ =	strace s3  }
0x97: {  	_ =	strace $0x8FFFFFFF  }
0x98: {  	s19 =	sld [smem:$0x3FDB];
	_ =	sdelay $0x1  }
0x99: {  	s4 =	simm.s32 $_scs_section_size  }
0x9a: {  	s5 =	simm.s32 $_size__tile_overlayer_lowered;
	s6 =	simm.s32 $_tile_overlayer_lowered  }
0x9b: {  	s22 =	simm.s32 $0x1BFF;
	s21 =	sshll.u32 s6, $0x1;
	s3 =	sadd.s32 s4, s19  }
0x9c: {  	s7 =	simm.s32 $0x0;
	s20 =	sshll.u32 s5, $0x1;
	s5 =	sadd.s32 s21, s3  }
0x9d: {  	[timem:s7], [sflag:s22] =	dma.local [hbm:s5], s20  }
0x9e: {  	_ =	swait.ge [sflag:s22], s20  }
0x9f: {  	s4 =	ssub.s32 $0x0, s20;
	[sflag:s22] =	ssyncset.done $0x0  }
0xa0: {  	[sflag:s22] =	ssyncadd.s32 s4;
	_ =	sdelay $0x1  }
0xa1: {  	s23 =	simm.s32 $0x1B8B  }
0xa2: {  	_ =	swait.ge [sflag:s23], $0x1  }
0xa3: {  	[sflag:s23] =	ssyncset.done $0x0  }
0xa4: {  	s25 =	simm.s32 $0x1B8E;
	s24 =	sld [smem:$0x3FFE];
	[sflag:s23] =	ssyncadd.s32 $0xFFFFFFFF  }
0xa5: {  	s26 =	simm.s32 $execute0_lowered;
	[smem:$0x3FD2] =	sst s25  }
0xa6: {  	s5 =	sshll.u32 s26, $0x1;
	_ =	strace $0x80000049;
	[dreg:$0x1] =	wrdreg $0xFFFFFFFF  }
0xa7: {  	s28 =	simm.s32 $_size_execute0_lowered;
	s3 =	sadd.s32 s3, s5;
	[dreg:$0x0] =	wrdreg $0x0  }
0xa8: {  	s5 =	sshll.u32 s28, $0x1;
	[dreg:$0x2] =	wrdreg s3  }
0xa9: {  	[dreg:$0x3] =	wrdreg s5  }
0xaa: {  	[dreg:$0x4] =	wrdreg $0xC0  }
0xab: {  	_ =	task [dreg:s7], $0x5FFFF  }
0xac: {  	[dreg:$0x1] =	wrdreg $0xFFFFFFFF  }
0xad: {  	[dreg:$0x0] =	wrdreg $0x60  }
0xae: {  	[dreg:$0x2] =	wrdreg s24  }
0xaf: {  	[dreg:$0x3] =	wrdreg s2  }
0xb0: {  	[dreg:$0x4] =	wrdreg $0x9  }
0xb1: {  	_ =	task.clear_ibuf [dreg:s7], $0x5FFFF;
	_ =	strace $0x90000049  }
0xb2: {  	s29 =	simm.s32 $0x9;
	_ =	strace $0x8000004B  }
0xb3: {  	_ =	swait.ge [sflag:s29], $0x1  }
0xb4: {  	[sflag:s29] =	ssyncadd.s32 $0xFFFFFFFF  }
0xb5: {  	_ =	strace $0x9000004B  }
0xb6: {  	_ =	sfence  }
0xb7: {  	s30 =	sld [smem:$0x0];
	_ =	sdelay $0x2  }
0xb8: {  	s31 =	sshll.u32 s1, $0xD;
	s1 =	sshrl.u32 s1, $0x2  }
0xb9: {  	s3 =	sand.u32 $0x4000, s31;
	s1 =	sadd.s32 s1, s30  }
0xba: {  	s0 =	sor.u32 s3, s0;
	s1 =	sshll.u32 s1, $0x11  }
0xbb: {  	s0 =	sor.u32 s1, s0  }
0xbc: {  	s0 =	sadd.s32 $0x8F2B, s0  }
0xbd: {  	[sflag:s0] =	ssyncadd.remote.s32 $0x1  }
0xbe: {  	_ =	sfence.sel $0xFFFF  }
0xbf: {  	[dreg:$0x0] =	wrdreg $0xFFFFFFFF;
	(pc) =	sbr.abs _section_cstart, $3  }
0xc0: {  	[dreg:$0x1] =	wrdreg $0xFFFFFFFF  }
0xc1: {  	_ =	task.clear_ibuf [dreg:s7], $0x2FFFF;
	_ =	strace $0x9FFFFFFF  }
0xc2: {  	(tm) =	ssettm $0x7FFFFFFF  }
0xc3: {  	_ =	shalt  }
tec
execute0_lowered:
.L_overlay_start_1:
0x0: {  	(tag) =	ssettag $0x1  }
0x1: {  	s0 =	rddreg [dreg:$0x0]  }
0x2: {  	s1 =	rddreg [dreg:$0x1]  }
0x3: {  	s2 =	simm.s32 $0x0;
	s3 =	srdreg.scid;
	s5 =	stileid.u32  }
0x4: {  	s8 =	simm.s32 $0x1;
	s26 =	simm.s32 $0x80;
	s20 =	simm.s32 $0x900  }
0x5: {  	s21 =	simm.s32 $0x1100;
	s28 =	simm.s32 $0x4100;
	s29 =	simm.s32 $0x4900  }
0x6: {  	s30 =	simm.s32 $0x5100;
	s31 =	simm.s32 $0x5900;
	s10 =	simm.s32 $0x7100  }
0x7: {  	s11 =	simm.s32 $0x7900;
	s12 =	simm.s32 $0x8100;
	s13 =	simm.s32 $0x8900  }
0x8: {  	s14 =	simm.s32 $0x9100;
	s15 =	simm.s32 $0x9900;
	s16 =	simm.s32 $0xA100  }
0x9: {  	s17 =	simm.s32 $0xA900;
	s9 =	simm.s32 $0xB100;
	s3 =	sand.u32 $0x1, s3  }
0xa: {  	[smem:$0x7FF] =	sst s2;
	s5 =	sshll.u32 s5, $0x8;
	s4 =	ssub.s32 $0x2, s3  }
0xb: {  	s3 =	sshll.u32 s3, $0x7;
	_ =	strace $0x8000004A;
	[dreg:$0x7] =	wrdreg s26  }
0xc: {  	s26 =	simm.s32 $0x3900;
	s6 =	sshrl.u32 s4, $0x1;
	s5 =	sor.u32 s3, s5  }
0xd: {  	s3 =	sadd.s32 $0xC0200, s0;
	s7 =	ssub.s32 s4, s6;
	s22 =	sshrl.u32 s5, $0x3  }
0xe: {  	s23 =	sshll.u32 s5, $0x7;
	s5 =	sor.u32 $0x40, s5;
	s4 =	sadd.s32 s0, s22  }
0xf: {  	s24 =	sadd.s32 s1, s23;
	s25 =	sshrl.u32 s5, $0x3;
	s5 =	sshll.u32 s5, $0x7  }
0x10: {  	s7 =	smax.u32 s7, $0x1;
	s22 =	simm.s32 $0x1900;
	[dreg:$0x3] =	wrdreg s4  }
0x11: {  	s23 =	simm.s32 $0x2100;
	[dreg:$0x4] =	wrdreg s24;
	s6 =	sadd.s32 s0, s25  }
0x12: {  	v2 =	vlaneseq.u32;
	s4 =	sadd.s32 $0xC0300, s0;
	s1 =	sadd.s32 s1, s5;
	s5 =	sadd.s32 $0xC0400, s0  }
0x13: {  	vm0 =	vmmov $0xffff;
	v1 =	vshrl.u32 v2, $0x3;
	s24 =	simm.s32 $0x2900;
	s25 =	simm.s32 $0x3100;
	[dreg:$0x5] =	wrdreg s6  }
0x14: {  	v0 =	vand.u32 $0x7, v2;
	v2 =	vor.u32 $0x8, v2;
	v1 =	vmul.u32 $0x8, v1;
	s6 =	sadd.s32 $0xC0500, s0;
	[dreg:$0x6] =	wrdreg s1;
	s0 =	simm.s32 $0x100  }
.LBB2_1:
0x15: {  	s18 =	rddreg [dreg:$0x3]  }
0x16: {  	[tilespmem:s2], [sflag:$0x1] =	stream.linear.gather [hbm4b:s18+s2], $0x40, $0x38;
	[tilespmem:$0x10100] =	vst v63  }
0x17: {  	_ =	swait.ge [sflag:s8], $0x40  }
0x18: {  	[sflag:s8] =	ssyncset.done $0x0  }
0x19: {  	[sflag:s8] =	ssyncadd.s32 $0xFFFFFFC0  }
0x1a: {  	v3 =	vld [tilespmem:$0x0];
	_ =	sdelay $0x4  }
0x1b: {  	v4 =	vshll.u32 v3, $0x3  }
0x1c: {  	v3 =	vand.u32 $0x7, v3;
	v4 =	vand.u32 $0xFFFFFFC0, v4  }
0x1d: {  	v3 =	vor.u32 v3, v4  }
0x1e: {  	v4 =	vperm.xlane v3, v0;
	_ =	sdelay $0x1  }
0x1f: {  	v4 =	vadd.s32 v1, v4;
	_ =	sdelay $0x4  }
0x20: {  	[tilespmem:s0], [sflag:$0x1] =	stream.indirect_vreg.gather [hbm4b:s3+s2], $0x80, v4, vm0, $0xb8;
	[tilespmem:$0x10100] =	vst v63  }
0x21: {  	v3 =	vperm.xlane v3, v2  }
0x22: {  	[tilespmem:s20], [sflag:$0x1] =	stream.indirect_vreg.gather [hbm4b:s4+s2], $0x80, v4, vm0, $0xb8;
	[tilespmem:$0x10100] =	vst v63  }
0x23: {  	v3 =	vadd.s32 v1, v3  }
0x24: {  	[tilespmem:s21], [sflag:$0x1] =	stream.indirect_vreg.gather [hbm4b:s5+s2], $0x80, v4, vm0, $0xb8;
	[tilespmem:$0x10100] =	vst v63  }
0x25: {  	_ = 	snop  }
0x26: {  	[tilespmem:s22], [sflag:$0x1] =	stream.indirect_vreg.gather [hbm4b:s6+s2], $0x80, v4, vm0, $0xb8;
	[tilespmem:$0x10100] =	vst v63  }
0x27: {  	_ = 	snop  }
0x28: {  	[tilespmem:s23], [sflag:$0x1] =	stream.indirect_vreg.gather [hbm4b:s3+s2], $0x80, v3, vm0, $0xb8;
	[tilespmem:$0x10100] =	vst v63  }
0x29: {  	_ = 	snop  }
0x2a: {  	[tilespmem:s24], [sflag:$0x1] =	stream.indirect_vreg.gather [hbm4b:s4+s2], $0x80, v3, vm0, $0xb8;
	[tilespmem:$0x10100] =	vst v63  }
0x2b: {  	_ = 	snop  }
0x2c: {  	[tilespmem:s25], [sflag:$0x1] =	stream.indirect_vreg.gather [hbm4b:s5+s2], $0x80, v3, vm0, $0xb8;
	[tilespmem:$0x10100] =	vst v63  }
0x2d: {  	_ = 	snop  }
0x2e: {  	[tilespmem:s26], [sflag:$0x1] =	stream.indirect_vreg.gather [hbm4b:s6+s2], $0x80, v3, vm0, $0xb8;
	[tilespmem:$0x10100] =	vst v63  }
0x2f: {  	v3 =	vld [tilespmem:$0x10];
	_ =	sdelay $0x4  }
0x30: {  	v57 =	vshll.u32 v3, $0x3  }
0x31: {  	v3 =	vand.u32 $0x7, v3;
	v4 =	vand.u32 $0xFFFFFFC0, v57  }
0x32: {  	v3 =	vor.u32 v3, v4  }
0x33: {  	v4 =	vperm.xlane v3, v0;
	_ =	sdelay $0x1  }
0x34: {  	v4 =	vadd.s32 v1, v4;
	_ =	sdelay $0x4  }
0x35: {  	[tilespmem:s28], [sflag:$0x1] =	stream.indirect_vreg.gather [hbm4b:s3+s2], $0x80, v4, vm0, $0xb8;
	[tilespmem:$0x10100] =	vst v63  }
0x36: {  	v3 =	vperm.xlane v3, v2  }
0x37: {  	[tilespmem:s29], [sflag:$0x1] =	stream.indirect_vreg.gather [hbm4b:s4+s2], $0x80, v4, vm0, $0xb8;
	[tilespmem:$0x10100] =	vst v63  }
0x38: {  	v3 =	vadd.s32 v1, v3  }
0x39: {  	[tilespmem:s30], [sflag:$0x1] =	stream.indirect_vreg.gather [hbm4b:s5+s2], $0x80, v4, vm0, $0xb8;
	[tilespmem:$0x10100] =	vst v63  }
0x3a: {  	_ = 	snop  }
0x3b: {  	[tilespmem:s31], [sflag:$0x1] =	stream.indirect_vreg.gather [hbm4b:s6+s2], $0x80, v4, vm0, $0xb8;
	[tilespmem:$0x10100] =	vst v63  }
0x3c: {  	s1 =	simm.s32 $0x6100  }
0x3d: {  	[tilespmem:s1], [sflag:$0x1] =	stream.indirect_vreg.gather [hbm4b:s3+s2], $0x80, v3, vm0, $0xb8;
	[tilespmem:$0x10100] =	vst v63  }
0x3e: {  	s1 =	simm.s32 $0x6900  }
0x3f: {  	[tilespmem:s1], [sflag:$0x1] =	stream.indirect_vreg.gather [hbm4b:s4+s2], $0x80, v3, vm0, $0xb8;
	[tilespmem:$0x10100] =	vst v63  }
0x40: {  	_ = 	snop  }
0x41: {  	[tilespmem:s10], [sflag:$0x1] =	stream.indirect_vreg.gather [hbm4b:s5+s2], $0x80, v3, vm0, $0xb8;
	[tilespmem:$0x10100] =	vst v63  }
0x42: {  	_ = 	snop  }
0x43: {  	[tilespmem:s11], [sflag:$0x1] =	stream.indirect_vreg.gather [hbm4b:s6+s2], $0x80, v3, vm0, $0xb8;
	[tilespmem:$0x10100] =	vst v63  }
0x44: {  	v3 =	vld [tilespmem:$0x20];
	_ =	sdelay $0x4  }
0x45: {  	v58 =	vshll.u32 v3, $0x3  }
0x46: {  	v3 =	vand.u32 $0x7, v3;
	v4 =	vand.u32 $0xFFFFFFC0, v58  }
0x47: {  	v3 =	vor.u32 v3, v4  }
0x48: {  	v4 =	vperm.xlane v3, v0;
	_ =	sdelay $0x1  }
0x49: {  	v4 =	vadd.s32 v1, v4;
	_ =	sdelay $0x4  }
0x4a: {  	[tilespmem:s12], [sflag:$0x1] =	stream.indirect_vreg.gather [hbm4b:s3+s2], $0x80, v4, vm0, $0xb8;
	[tilespmem:$0x10100] =	vst v63  }
0x4b: {  	v3 =	vperm.xlane v3, v2  }
0x4c: {  	[tilespmem:s13], [sflag:$0x1] =	stream.indirect_vreg.gather [hbm4b:s4+s2], $0x80, v4, vm0, $0xb8;
	[tilespmem:$0x10100] =	vst v63  }
0x4d: {  	v3 =	vadd.s32 v1, v3  }
0x4e: {  	[tilespmem:s14], [sflag:$0x1] =	stream.indirect_vreg.gather [hbm4b:s5+s2], $0x80, v4, vm0, $0xb8;
	[tilespmem:$0x10100] =	vst v63  }
0x4f: {  	_ = 	snop  }
0x50: {  	[tilespmem:s15], [sflag:$0x1] =	stream.indirect_vreg.gather [hbm4b:s6+s2], $0x80, v4, vm0, $0xb8;
	[tilespmem:$0x10100] =	vst v63  }
0x51: {  	_ = 	snop  }
0x52: {  	[tilespmem:s16], [sflag:$0x1] =	stream.indirect_vreg.gather [hbm4b:s3+s2], $0x80, v3, vm0, $0xb8;
	[tilespmem:$0x10100] =	vst v63  }
0x53: {  	_ = 	snop  }
0x54: {  	[tilespmem:s17], [sflag:$0x1] =	stream.indirect_vreg.gather [hbm4b:s4+s2], $0x80, v3, vm0, $0xb8;
	[tilespmem:$0x10100] =	vst v63  }
0x55: {  	_ = 	snop  }
0x56: {  	[tilespmem:s9], [sflag:$0x1] =	stream.indirect_vreg.gather [hbm4b:s5+s2], $0x80, v3, vm0, $0xb8;
	[tilespmem:$0x10100] =	vst v63  }
0x57: {  	s19 =	simm.s32 $0xB900  }
0x58: {  	[tilespmem:s19], [sflag:$0x1] =	stream.indirect_vreg.gather [hbm4b:s6+s2], $0x80, v3, vm0, $0xb8;
	[tilespmem:$0x10100] =	vst v63  }
0x59: {  	v3 =	vld [tilespmem:$0x30];
	_ =	sdelay $0x4  }
0x5a: {  	v59 =	vshll.u32 v3, $0x3  }
0x5b: {  	v3 =	vand.u32 $0x7, v3;
	v4 =	vand.u32 $0xFFFFFFC0, v59  }
0x5c: {  	v3 =	vor.u32 v3, v4  }
0x5d: {  	v4 =	vperm.xlane v3, v0;
	_ =	sdelay $0x1  }
0x5e: {  	v4 =	vadd.s32 v1, v4;
	_ =	sdelay $0x3  }
0x5f: {  	s19 =	simm.s32 $0xC100  }
0x60: {  	[tilespmem:s19], [sflag:$0x1] =	stream.indirect_vreg.gather [hbm4b:s3+s2], $0x80, v4, vm0, $0xb8;
	[tilespmem:$0x10100] =	vst v63  }
0x61: {  	v3 =	vperm.xlane v3, v2;
	s19 =	simm.s32 $0xC900  }
0x62: {  	[tilespmem:s19], [sflag:$0x1] =	stream.indirect_vreg.gather [hbm4b:s4+s2], $0x80, v4, vm0, $0xb8;
	[tilespmem:$0x10100] =	vst v63  }
0x63: {  	v3 =	vadd.s32 v1, v3;
	s19 =	simm.s32 $0xD100  }
0x64: {  	[tilespmem:s19], [sflag:$0x1] =	stream.indirect_vreg.gather [hbm4b:s5+s2], $0x80, v4, vm0, $0xb8;
	[tilespmem:$0x10100] =	vst v63  }
0x65: {  	s19 =	simm.s32 $0xD900  }
0x66: {  	[tilespmem:s19], [sflag:$0x1] =	stream.indirect_vreg.gather [hbm4b:s6+s2], $0x80, v4, vm0, $0xb8;
	[tilespmem:$0x10100] =	vst v63  }
0x67: {  	s19 =	simm.s32 $0xE100  }
0x68: {  	[tilespmem:s19], [sflag:$0x1] =	stream.indirect_vreg.gather [hbm4b:s3+s2], $0x80, v3, vm0, $0xb8;
	[tilespmem:$0x10100] =	vst v63  }
0x69: {  	s19 =	simm.s32 $0xE900  }
0x6a: {  	[tilespmem:s19], [sflag:$0x1] =	stream.indirect_vreg.gather [hbm4b:s4+s2], $0x80, v3, vm0, $0xb8;
	[tilespmem:$0x10100] =	vst v63  }
0x6b: {  	s19 =	simm.s32 $0xF100  }
0x6c: {  	[tilespmem:s19], [sflag:$0x1] =	stream.indirect_vreg.gather [hbm4b:s5+s2], $0x80, v3, vm0, $0xb8;
	[tilespmem:$0x10100] =	vst v63  }
0x6d: {  	s19 =	simm.s32 $0xF900  }
0x6e: {  	[tilespmem:s19], [sflag:$0x1] =	stream.indirect_vreg.gather [hbm4b:s6+s2], $0x80, v3, vm0, $0xb8;
	[tilespmem:$0x10100] =	vst v63  }
0x6f: {  	_ =	swait.ge [sflag:s8], $0x10000  }
0x70: {  	[sflag:s8] =	ssyncset.done $0x0  }
0x71: {  	s19 =	rddreg [dreg:$0x4];
	[sflag:s8] =	ssyncadd.s32 $0xFFFF0000  }
0x72: {  	[hbm4b:s19+s2] =	stream.linear.scatter [tilespmem:s0], [sflag:$0x1], $0x10000, $0x38;
	[tilespmem:$0x10100] =	vst v63  }
0x73: {  	_ =	swait.ge [sflag:s8], $0x10000  }
0x74: {  	s18 =	rddreg [dreg:$0x5];
	[sflag:s8] =	ssyncset.done $0x0  }
0x75: {  	s19 =	rddreg [dreg:$0x7];
	[sflag:s8] =	ssyncadd.s32 $0xFFFF0000  }
0x76: {  	[tilespmem:s19], [sflag:$0x1] =	stream.linear.gather [hbm4b:s18+s2], $0x40, $0x38;
	[tilespmem:$0x10100] =	vst v63  }
0x77: {  	_ =	swait.ge [sflag:s8], $0x40  }
0x78: {  	[sflag:s8] =	ssyncset.done $0x0  }
0x79: {  	[sflag:s8] =	ssyncadd.s32 $0xFFFFFFC0  }
0x7a: {  	v3 =	vld [tilespmem:$0x80];
	_ =	sdelay $0x4  }
0x7b: {  	v60 =	vshll.u32 v3, $0x3  }
0x7c: {  	v3 =	vand.u32 $0x7, v3;
	v4 =	vand.u32 $0xFFFFFFC0, v60  }
0x7d: {  	v3 =	vor.u32 v3, v4  }
0x7e: {  	v4 =	vperm.xlane v3, v0;
	_ =	sdelay $0x1  }
0x7f: {  	v4 =	vadd.s32 v1, v4;
	_ =	sdelay $0x4  }
0x80: {  	[tilespmem:s0], [sflag:$0x1] =	stream.indirect_vreg.gather [hbm4b:s3+s2], $0x80, v4, vm0, $0xb8;
	[tilespmem:$0x10100] =	vst v63  }
0x81: {  	v3 =	vperm.xlane v3, v2  }
0x82: {  	[tilespmem:s20], [sflag:$0x1] =	stream.indirect_vreg.gather [hbm4b:s4+s2], $0x80, v4, vm0, $0xb8;
	[tilespmem:$0x10100] =	vst v63  }
0x83: {  	v3 =	vadd.s32 v1, v3  }
0x84: {  	[tilespmem:s21], [sflag:$0x1] =	stream.indirect_vreg.gather [hbm4b:s5+s2], $0x80, v4, vm0, $0xb8;
	[tilespmem:$0x10100] =	vst v63  }
0x85: {  	_ = 	snop  }
0x86: {  	[tilespmem:s22], [sflag:$0x1] =	stream.indirect_vreg.gather [hbm4b:s6+s2], $0x80, v4, vm0, $0xb8;
	[tilespmem:$0x10100] =	vst v63  }
0x87: {  	_ = 	snop  }
0x88: {  	[tilespmem:s23], [sflag:$0x1] =	stream.indirect_vreg.gather [hbm4b:s3+s2], $0x80, v3, vm0, $0xb8;
	[tilespmem:$0x10100] =	vst v63  }
0x89: {  	_ = 	snop  }
0x8a: {  	[tilespmem:s24], [sflag:$0x1] =	stream.indirect_vreg.gather [hbm4b:s4+s2], $0x80, v3, vm0, $0xb8;
	[tilespmem:$0x10100] =	vst v63  }
0x8b: {  	_ = 	snop  }
0x8c: {  	[tilespmem:s25], [sflag:$0x1] =	stream.indirect_vreg.gather [hbm4b:s5+s2], $0x80, v3, vm0, $0xb8;
	[tilespmem:$0x10100] =	vst v63  }
0x8d: {  	_ = 	snop  }
0x8e: {  	[tilespmem:s26], [sflag:$0x1] =	stream.indirect_vreg.gather [hbm4b:s6+s2], $0x80, v3, vm0, $0xb8;
	[tilespmem:$0x10100] =	vst v63  }
0x8f: {  	v3 =	vld [tilespmem:$0x90];
	_ =	sdelay $0x4  }
0x90: {  	v61 =	vshll.u32 v3, $0x3  }
0x91: {  	v3 =	vand.u32 $0x7, v3;
	v4 =	vand.u32 $0xFFFFFFC0, v61  }
0x92: {  	v3 =	vor.u32 v3, v4  }
0x93: {  	v4 =	vperm.xlane v3, v0;
	_ =	sdelay $0x1  }
0x94: {  	v4 =	vadd.s32 v1, v4;
	_ =	sdelay $0x4  }
0x95: {  	[tilespmem:s28], [sflag:$0x1] =	stream.indirect_vreg.gather [hbm4b:s3+s2], $0x80, v4, vm0, $0xb8;
	[tilespmem:$0x10100] =	vst v63  }
0x96: {  	v3 =	vperm.xlane v3, v2  }
0x97: {  	[tilespmem:s29], [sflag:$0x1] =	stream.indirect_vreg.gather [hbm4b:s4+s2], $0x80, v4, vm0, $0xb8;
	[tilespmem:$0x10100] =	vst v63  }
0x98: {  	v3 =	vadd.s32 v1, v3  }
0x99: {  	[tilespmem:s30], [sflag:$0x1] =	stream.indirect_vreg.gather [hbm4b:s5+s2], $0x80, v4, vm0, $0xb8;
	[tilespmem:$0x10100] =	vst v63  }
0x9a: {  	_ = 	snop  }
0x9b: {  	[tilespmem:s31], [sflag:$0x1] =	stream.indirect_vreg.gather [hbm4b:s6+s2], $0x80, v4, vm0, $0xb8;
	[tilespmem:$0x10100] =	vst v63  }
0x9c: {  	s19 =	simm.s32 $0x6100  }
0x9d: {  	[tilespmem:s19], [sflag:$0x1] =	stream.indirect_vreg.gather [hbm4b:s3+s2], $0x80, v3, vm0, $0xb8;
	[tilespmem:$0x10100] =	vst v63  }
0x9e: {  	_ = 	snop  }
0x9f: {  	[tilespmem:s1], [sflag:$0x1] =	stream.indirect_vreg.gather [hbm4b:s4+s2], $0x80, v3, vm0, $0xb8;
	[tilespmem:$0x10100] =	vst v63  }
0xa0: {  	_ = 	snop  }
0xa1: {  	[tilespmem:s10], [sflag:$0x1] =	stream.indirect_vreg.gather [hbm4b:s5+s2], $0x80, v3, vm0, $0xb8;
	[tilespmem:$0x10100] =	vst v63  }
0xa2: {  	_ = 	snop  }
0xa3: {  	[tilespmem:s11], [sflag:$0x1] =	stream.indirect_vreg.gather [hbm4b:s6+s2], $0x80, v3, vm0, $0xb8;
	[tilespmem:$0x10100] =	vst v63  }
0xa4: {  	v3 =	vld [tilespmem:$0xA0];
	_ =	sdelay $0x4  }
0xa5: {  	v62 =	vshll.u32 v3, $0x3  }
0xa6: {  	v3 =	vand.u32 $0x7, v3;
	v4 =	vand.u32 $0xFFFFFFC0, v62  }
0xa7: {  	v3 =	vor.u32 v3, v4  }
0xa8: {  	v4 =	vperm.xlane v3, v0;
	_ =	sdelay $0x1  }
0xa9: {  	v4 =	vadd.s32 v1, v4;
	_ =	sdelay $0x4  }
0xaa: {  	[tilespmem:s12], [sflag:$0x1] =	stream.indirect_vreg.gather [hbm4b:s3+s2], $0x80, v4, vm0, $0xb8;
	[tilespmem:$0x10100] =	vst v63  }
0xab: {  	v3 =	vperm.xlane v3, v2  }
0xac: {  	[tilespmem:s13], [sflag:$0x1] =	stream.indirect_vreg.gather [hbm4b:s4+s2], $0x80, v4, vm0, $0xb8;
	[tilespmem:$0x10100] =	vst v63  }
0xad: {  	v3 =	vadd.s32 v1, v3  }
0xae: {  	[tilespmem:s14], [sflag:$0x1] =	stream.indirect_vreg.gather [hbm4b:s5+s2], $0x80, v4, vm0, $0xb8;
	[tilespmem:$0x10100] =	vst v63  }
0xaf: {  	_ = 	snop  }
0xb0: {  	[tilespmem:s15], [sflag:$0x1] =	stream.indirect_vreg.gather [hbm4b:s6+s2], $0x80, v4, vm0, $0xb8;
	[tilespmem:$0x10100] =	vst v63  }
0xb1: {  	_ = 	snop  }
0xb2: {  	[tilespmem:s16], [sflag:$0x1] =	stream.indirect_vreg.gather [hbm4b:s3+s2], $0x80, v3, vm0, $0xb8;
	[tilespmem:$0x10100] =	vst v63  }
0xb3: {  	_ = 	snop  }
0xb4: {  	[tilespmem:s17], [sflag:$0x1] =	stream.indirect_vreg.gather [hbm4b:s4+s2], $0x80, v3, vm0, $0xb8;
	[tilespmem:$0x10100] =	vst v63  }
0xb5: {  	_ = 	snop  }
0xb6: {  	[tilespmem:s9], [sflag:$0x1] =	stream.indirect_vreg.gather [hbm4b:s5+s2], $0x80, v3, vm0, $0xb8;
	[tilespmem:$0x10100] =	vst v63  }
0xb7: {  	s18 =	simm.s32 $0xB900  }
0xb8: {  	[tilespmem:s18], [sflag:$0x1] =	stream.indirect_vreg.gather [hbm4b:s6+s2], $0x80, v3, vm0, $0xb8;
	[tilespmem:$0x10100] =	vst v63  }
0xb9: {  	v3 =	vld [tilespmem:$0xB0];
	_ =	sdelay $0x4  }
0xba: {  	v63 =	vshll.u32 v3, $0x3  }
0xbb: {  	v3 =	vand.u32 $0x7, v3;
	v4 =	vand.u32 $0xFFFFFFC0, v63  }
0xbc: {  	v3 =	vor.u32 v3, v4  }
0xbd: {  	v4 =	vperm.xlane v3, v0;
	_ =	sdelay $0x1  }
0xbe: {  	v4 =	vadd.s32 v1, v4;
	_ =	sdelay $0x3  }
0xbf: {  	s19 =	simm.s32 $0xC100  }
0xc0: {  	[tilespmem:s19], [sflag:$0x1] =	stream.indirect_vreg.gather [hbm4b:s3+s2], $0x80, v4, vm0, $0xb8;
	[tilespmem:$0x10100] =	vst v63  }
0xc1: {  	s18 =	simm.s32 $0xC900;
	v3 =	vperm.xlane v3, v2  }
0xc2: {  	[tilespmem:s18], [sflag:$0x1] =	stream.indirect_vreg.gather [hbm4b:s4+s2], $0x80, v4, vm0, $0xb8;
	[tilespmem:$0x10100] =	vst v63  }
0xc3: {  	v3 =	vadd.s32 v1, v3;
	s19 =	simm.s32 $0xD100  }
0xc4: {  	[tilespmem:s19], [sflag:$0x1] =	stream.indirect_vreg.gather [hbm4b:s5+s2], $0x80, v4, vm0, $0xb8;
	[tilespmem:$0x10100] =	vst v63  }
0xc5: {  	s18 =	simm.s32 $0xD900  }
0xc6: {  	[tilespmem:s18], [sflag:$0x1] =	stream.indirect_vreg.gather [hbm4b:s6+s2], $0x80, v4, vm0, $0xb8;
	[tilespmem:$0x10100] =	vst v63  }
0xc7: {  	s19 =	simm.s32 $0xE100  }
0xc8: {  	[tilespmem:s19], [sflag:$0x1] =	stream.indirect_vreg.gather [hbm4b:s3+s2], $0x80, v3, vm0, $0xb8;
	[tilespmem:$0x10100] =	vst v63  }
0xc9: {  	s18 =	simm.s32 $0xE900  }
0xca: {  	[tilespmem:s18], [sflag:$0x1] =	stream.indirect_vreg.gather [hbm4b:s4+s2], $0x80, v3, vm0, $0xb8;
	[tilespmem:$0x10100] =	vst v63  }
0xcb: {  	s19 =	simm.s32 $0xF100  }
0xcc: {  	[tilespmem:s19], [sflag:$0x1] =	stream.indirect_vreg.gather [hbm4b:s5+s2], $0x80, v3, vm0, $0xb8;
	[tilespmem:$0x10100] =	vst v63  }
0xcd: {  	s18 =	simm.s32 $0xF900  }
0xce: {  	[tilespmem:s18], [sflag:$0x1] =	stream.indirect_vreg.gather [hbm4b:s6+s2], $0x80, v3, vm0, $0xb8;
	[tilespmem:$0x10100] =	vst v63  }
0xcf: {  	_ =	swait.ge [sflag:s8], $0x10000  }
0xd0: {  	p0 =	sne.s32 s7, $0x1;
	[sflag:s8] =	ssyncset.done $0x0  }
.Ltmp0:
0xd1: {  	s19 =	rddreg [dreg:$0x6];
	[sflag:s8] =	ssyncadd.s32 $0xFFFF0000;
	(pc) =	sbr.rel @p0 .LBB2_1-.Ltmp0, $4  }
0xd2: {  	[hbm4b:s19+s2] =	stream.linear.scatter [tilespmem:s0], [sflag:$0x1], $0x10000, $0x38;
	[tilespmem:$0x10100] =	vst v63  }
0xd3: {  	_ =	swait.ge [sflag:s8], $0x10000  }
0xd4: {  	[sflag:s8] =	ssyncset.done $0x0  }
0xd5: {  	s7 =	sadd.s32 $0xFFFFFFFF, s7;
	[sflag:s8] =	ssyncadd.s32 $0xFFFF0000  }
0xd6: {  	_ =	sfence.sel $0x180000  }
0xd7: {  	[bflag:$0x0] =	sbarrier.arrive $0xFFFF  }
0xd8: {  	_ =	strace $0x9000004A  }
0xd9: {  	s0 =	stileid.u32;
	[bflag:$0x2] =	sbarrier.arrive $0xFFFF  }
0xda: {  	p0 =	sne.s32 s0, $0x0;
	s0 =	rddreg [dreg:$0x2]  }
0xdb: {  	s0 =	sadd.s32 @!p0 $0x100000, s0  }
0xdc: {  	[sflag:s0] =	ssyncadd.tile.s32 @!p0 $0x1;
	_ =	shalt  }
.Lfunc_end2:
_tile_overlayer_lowered:
.L_overlay_start_2:
0xdd: {  	(tag) =	ssettag $0x2  }
0xde: {  	s0 =	rddreg [dreg:$0x0];
	s2 =	stileid.u32  }
0xdf: {  	s1 =	rddreg [dreg:$0x1];
	p0 =	sne.s32 s2, $0x0  }
0xe0: {  	s3 =	rddreg [dreg:$0x2];
	[bflag:$0x3] =	sbarrier.arrive $0xFFFF;
	s2 =	simm.s32 @!p0 $0x1C01  }
0xe1: {  	[timem:s3], [sflag:s2] =	dma.local @!p0 [hbm:s0], s1  }
0xe2: {  	s0 =	simm.s32 @!p0 $0x1  }
0xe3: {  	_ =	swait.ge @!p0 [sflag:s0], s1  }
0xe4: {  	s1 =	ssub.s32 @!p0 $0x0, s1;
	[sflag:s0] =	ssyncset.done @!p0 $0x0  }
0xe5: {  	[sflag:s0] =	ssyncadd.s32 @!p0 s1  }
0xe6: {  	[bflag:$0x3] =	sbarrier.arrive $0xFFFF  }
0xe7: {  	_ =	shalt  }

</sc_bundles>
